<compile_context>
chip_gen: v7x
topology: tpu7x:2x2x1
jax: 0.10.2.dev20260603
libtpu: 0.0.44.dev20260713+nightly
codegen_flags: <defaults>
</compile_context>

<pallas_src>
import functools

import numpy as np
import jax
import jax.numpy as jnp
from jax import lax
from jax.experimental import pallas as pl
from jax.experimental.pallas import tpu as pltpu
from jax.experimental.pallas import tpu_sc as plsc

_STRIDE = 32
_SIZE = 14
_RATIOS = [[4, 4], [3, 5], [5, 3], [6, 6], [5, 7], [7, 5], [8, 8],
           [6, 10], [10, 6], [7, 9], [9, 7], [7, 10], [10, 7]]
_GROUPS = [(0, 3), (3, 6), (6, 13)]
_NSEL = [2, 3, 2]
_IOU_THR = 0.25
_PADW = 384
_NCHUNK = _PADW // 16


def _build_tables():
    wpad = np.zeros((_SIZE * _SIZE, 3 * _PADW), np.float32)
    coords = np.zeros((3 * 4, _PADW), np.float32)
    gsizes, glo = [], []
    goff = 0
    for g, (r0, r1) in enumerate(_GROUPS):
        j = 0
        glo.append(goff)
        for ri in range(r0, r1):
            kh, kw = _RATIOS[ri]
            nrows, ncols = _SIZE - kh + 1, _SIZE - kw + 1
            inv = 1.0 / float(kh * kw)
            for xi in range(nrows):
                for yi in range(ncols):
                    col = g * _PADW + j
                    for a in range(kh):
                        for b in range(kw):
                            wpad[(xi + a) * _SIZE + (yi + b), col] = inv
                    xl = xi * _STRIDE - 1
                    yl = yi * _STRIDE - 1
                    coords[g * 4 + 0, j] = max(xl, 0)
                    coords[g * 4 + 1, j] = max(yl, 0)
                    coords[g * 4 + 2, j] = xl + kh * _STRIDE
                    coords[g * 4 + 3, j] = yl + kw * _STRIDE
                    j += 1
        gsizes.append(j)
        goff += j
    return wpad, coords, gsizes, glo


_WPAD_NP, _COORDS_NP, _GSIZES, _GLO = _build_tables()
_NWIN = sum(_GSIZES)


def _score_body(x_ref, wp_ref, op_ref):
    fm = jnp.sum(x_ref[...], axis=2)
    op_ref[...] = lax.dot(fm, wp_ref[...],
                          precision=lax.Precision.HIGHEST,
                          preferred_element_type=jnp.float32)


def _scores_tc(x2, wpad):
    return pl.pallas_call(
        _score_body,
        out_shape=jax.ShapeDtypeStruct((x2.shape[0], 3 * _PADW), jnp.float32),
    )(x2, wpad)


def _nms_sc(scores_p, coords):
    mesh = plsc.VectorSubcoreMesh(core_axis_name="c", subcore_axis_name="s")
    neg = jnp.float32(-jnp.inf)

    @functools.partial(
        pl.kernel,
        out_type=jax.ShapeDtypeStruct((24, 2, 16), jnp.int32),
        mesh=mesh,
        compiler_params=pltpu.CompilerParams(needs_layout_passes=False),
        scratch_types=[
            pltpu.VMEM((_PADW,), jnp.float32),
            pltpu.VMEM((4, _PADW), jnp.float32),
            pltpu.VMEM((16,), jnp.float32),
            pltpu.VMEM((16,), jnp.int32),
            pltpu.VMEM((2, 16), jnp.int32),
        ],
    )
    def k(scores_hbm, coords_hbm, out_hbm, ms_v, cv, tf_v, ti_v, oif_v):
        c = lax.axis_index("c")
        s = lax.axis_index("s")
        iota = lax.broadcasted_iota(jnp.int32, (16,), 0)

        @pl.when(s < 12)
        def _():
            b = c * 4 + s // 3
            g = s - (s // 3) * 3
            ngw = jnp.where(g == 0, _GSIZES[0],
                            jnp.where(g == 1, _GSIZES[1], _GSIZES[2]))
            lo = jnp.where(g == 0, _GLO[0],
                           jnp.where(g == 1, _GLO[1], _GLO[2]))
            pltpu.sync_copy(scores_hbm.at[b, pl.ds(g * _PADW, _PADW)], ms_v)
            pltpu.sync_copy(coords_hbm.at[pl.ds(g * 4, 4)], cv)

            def allmax_f(v):
                for sh in (8, 4, 2, 1):
                    tf_v[...] = v
                    v = jnp.maximum(v, plsc.load_gather(tf_v, [iota ^ sh]))
                return v

            def allmax_i(v):
                for sh in (8, 4, 2, 1):
                    ti_v[...] = v
                    v = jnp.maximum(v, plsc.load_gather(ti_v, [iota ^ sh]))
                return v

            def pass0(ci, carry):
                mv, mi = carry
                st = ci * 16
                lanes = iota + st
                v = jnp.where(lanes < ngw, ms_v[pl.ds(st, 16)], neg)
                ms_v[pl.ds(st, 16)] = v
                cond = v >= mv
                return (jnp.where(cond, v, mv),
                        jnp.where(cond, lanes, mi))

            mv, mi = lax.fori_loop(
                0, _NCHUNK, pass0,
                (jnp.full((16,), neg, jnp.float32),
                 jnp.zeros((16,), jnp.int32)))

            oivec = jnp.zeros((16,), jnp.int32)
            ofvec = jnp.zeros((16,), jnp.float32)
            lastv = jnp.zeros((16,), jnp.int32)
            lastm = jnp.zeros((16,), jnp.float32)
            for t in range(3):
                m = allmax_f(mv)
                anyv = m != neg
                curv = allmax_i(jnp.where(mv == m, mi, -1))
                curv = jnp.where(anyv, curv, lastv)
                m = jnp.where(anyv, m, lastm)
                lastv, lastm = curv, m

                oivec = jnp.where(iota == t, curv + lo, oivec)
                ofvec = jnp.where(iota == t, m, ofvec)

                if t == 2:
                    break

                cxl = plsc.load_gather(cv, [jnp.full((16,), 0, jnp.int32), curv])
                cyl = plsc.load_gather(cv, [jnp.full((16,), 1, jnp.int32), curv])
                cxr = plsc.load_gather(cv, [jnp.full((16,), 2, jnp.int32), curv])
                cyr = plsc.load_gather(cv, [jnp.full((16,), 3, jnp.int32), curv])
                areac = (cxr - cxl + 1.0) * (cyr - cyl + 1.0)

                def supbody(ci, carry):
                    mv2, mi2 = carry
                    st = ci * 16
                    xlv = cv[0, pl.ds(st, 16)]
                    ylv = cv[1, pl.ds(st, 16)]
                    xrv = cv[2, pl.ds(st, 16)]
                    yrv = cv[3, pl.ds(st, 16)]
                    l0 = jnp.minimum(xrv, cxr) - jnp.maximum(xlv, cxl) + 1.0
                    l1 = jnp.minimum(yrv, cyr) - jnp.maximum(ylv, cyl) + 1.0
                    inter = jnp.where((l0 < 0.0) | (l1 < 0.0), 0.0, l0 * l1)
                    areav = (xrv - xlv + 1.0) * (yrv - ylv + 1.0)
                    union = areav + areac - inter
                    keep = (inter <= _IOU_THR * union) & (iota + st != curv)
                    vv = jnp.where(keep, ms_v[pl.ds(st, 16)], neg)
                    ms_v[pl.ds(st, 16)] = vv
                    cond = vv >= mv2
                    return (jnp.where(cond, vv, mv2),
                            jnp.where(cond, iota + st, mi2))

                mv, mi = lax.fori_loop(
                    0, _NCHUNK, supbody,
                    (jnp.full((16,), neg, jnp.float32),
                     jnp.zeros((16,), jnp.int32)))

            oif_v[0, :] = oivec
            oif_v[1, :] = lax.bitcast_convert_type(ofvec, jnp.int32)
            tid = c * 12 + s
            pltpu.sync_copy(oif_v, out_hbm.at[tid])

    return k(scores_p, coords)


def kernel(proposalN, x):
    batch = x.shape[0]
    xt = jnp.transpose(
        x.reshape(batch, x.shape[1], _SIZE * _SIZE), (0, 2, 1))
    sp = _scores_tc(xt, jnp.asarray(_WPAD_NP))
    window_scores = jnp.concatenate(
        [sp[:, _PADW * g:_PADW * g + _GSIZES[g]] for g in range(3)], axis=1)
    o24 = _nms_sc(sp, jnp.asarray(_COORDS_NP))
    ri = o24[:, 0, :].reshape(batch, 3, 16)
    rf = lax.bitcast_convert_type(o24[:, 1, :], jnp.float32).reshape(
        batch, 3, 16)
    pn = sum(_NSEL)
    idx = jnp.concatenate([ri[:, g, :_NSEL[g]] for g in range(3)], axis=1)
    idx = idx + (proposalN - pn)
    gathered = jnp.concatenate([rf[:, g, :_NSEL[g]] for g in range(3)], axis=1)
    return (idx, gathered, window_scores)

# --- scband reference (transcript-rebuilt; emitter-appended) ---
"""Pipeline reference for scband-appm-996432413602 (READ-ONLY COPY).

The authoritative reference and input builder live on the scoring server;
editing this copy changes nothing except your own understanding.
"""

import jax, jax.numpy as jnp
import numpy as np

stride = 32
input_size = 448
N_list = [2, 3, 2]
ratios = [[4, 4], [3, 5], [5, 3], [6, 6], [5, 7], [7, 5], [8, 8], [6, 10], [10, 6], [7, 9], [9, 7], [7, 10], [10, 7]]
iou_threshs = [0.25, 0.25, 0.25]

def compute_window_nums(ratios, stride, input_size):
    size = input_size / stride
    return [int(size - r[0] + 1) * int(size - r[1] + 1) for r in ratios]

window_nums = compute_window_nums(ratios, stride, input_size)

def indices2coordinates(indices, stride, image_size, ratio):
    size = int(image_size / stride)
    col = size - ratio[1] + 1
    xi = indices // col
    yi = indices % col
    xl = xi * stride - 1
    yl = yi * stride - 1
    xr = xl + ratio[0] * stride
    yr = yl + ratio[1] * stride
    xl = np.maximum(xl, 0)
    yl = np.maximum(yl, 0)
    return np.stack([xl, yl, xr, yr], axis=1).astype(int)

coordinates_cat = np.concatenate([indices2coordinates(np.arange(w), stride, input_size, ratios[i]) for i, w in enumerate(window_nums)], 0)
window_nums_sum = [0, sum(window_nums[:3]), sum(window_nums[3:6]), sum(window_nums[6:])]

def nms(scores_np, proposalN, iou_thresh, coordinates):
    windows_num = scores_np.shape[0]
    ic = np.concatenate((scores_np, coordinates), 1)
    order = np.argsort(ic[:, 0])
    ic = np.concatenate((ic, np.arange(0, windows_num).reshape(windows_num, 1)), 1)[order]
    results = []
    res = ic
    cur = ic[-1]
    while res.any():
        cur = res[-1]
        results.append(cur[5])
        if len(results) == proposalN:
            return np.array(results).reshape(1, proposalN).astype(int)
        res = res[:-1]
        start_max = np.maximum(res[:, 1:3], cur[1:3])
        end_min = np.minimum(res[:, 3:5], cur[3:5])
        lengths = end_min - start_max + 1
        inter = lengths[:, 0] * lengths[:, 1]
        inter[np.logical_or(lengths[:, 0] < 0, lengths[:, 1] < 0)] = 0
        iou = inter / ((res[:, 3] - res[:, 1] + 1) * (res[:, 4] - res[:, 2] + 1) + (cur[3] - cur[1] + 1) * (cur[4] - cur[2] + 1) - inter)
        res = res[iou <= iou_thresh]
    while len(results) != proposalN:
        results.append(cur[5])
    return np.array(results).reshape(1, -1).astype(int)

def nms_traced(scores, coordinates, n, iou_thresh):
    w = scores.shape[0]
    coords = jnp.asarray(coordinates, jnp.float32)
    areas = (coords[:, 2] - coords[:, 0] + 1) * (coords[:, 3] - coords[:, 1] + 1)
    arange = jnp.arange(w)

    def body(carry, _):
        valid, last = carry
        masked = jnp.where(valid, scores, -jnp.inf)
        cur = (w - 1) - jnp.argmax(masked[::-1])
        any_valid = jnp.any(valid)
        cur = jnp.where(any_valid, cur, last).astype(jnp.int32)
        c = coords[cur]
        start_max = jnp.maximum(coords[:, 0:2], c[0:2])
        end_min = jnp.minimum(coords[:, 2:4], c[2:4])
        lengths = end_min - start_max + 1
        inter = lengths[:, 0] * lengths[:, 1]
        inter = jnp.where(jnp.logical_or(lengths[:, 0] < 0, lengths[:, 1] < 0), 0.0, inter)
        union = areas + areas[cur] - inter
        valid = valid & (inter <= iou_thresh * union) & (arange != cur)
        return (valid, cur), cur

    _, idxs = jax.lax.scan(body, (jnp.ones((w,), jnp.bool_), jnp.int32(0)), None, length=n)
    return idxs

def avgpool2d(x, kh, kw):
    s = jax.lax.reduce_window(x, 0.0, jax.lax.add, (1, 1, kh, kw), (1, 1, 1, 1), 'VALID')
    return s / float(kh * kw)

def setup_inputs(seed: int = 0):
    key = jax.random.key(seed)
    x = jax.random.normal(key, (8, 2048, 14, 14), dtype=jnp.float32)
    return {"proposalN": 7, "x": x}

def reference(proposalN, x):
    batch = x.shape[0]
    avgs = [avgpool2d(x, r[0], r[1]) for r in ratios]
    fm_sum = [jnp.sum(a, axis=1) for a in avgs]
    all_scores = jnp.concatenate([f.reshape(batch, -1, 1) for f in fm_sum], axis=1)
    window_scores = all_scores.reshape(batch, -1)
    pN = sum(N_list)
    all_idx = []
    for i in range(batch):
        parts = []
        for j in range(len(window_nums_sum) - 1):
            lo = sum(window_nums_sum[:j + 1])
            hi = sum(window_nums_sum[:j + 2])
            parts.append(nms_traced(all_scores[i, lo:hi, 0], coordinates_cat[lo:hi], N_list[j], iou_threshs[j]) + lo)
        all_idx.append(jnp.concatenate(parts, 0))
    idx = jnp.stack(all_idx, 0).reshape(batch, pN) + (proposalN - pN)
    gathered = jnp.take_along_axis(all_scores, idx[:, :, None], axis=1).reshape(batch, pN)
    return (idx, gathered, window_scores)

if __name__ == "__main__":
    import jax
    _d = setup_inputs()
    print(jax.jit(kernel)(*tuple(_d.values())))

</pallas_src>

<mosaic_0001>
#map = affine_map<(d0, d1) -> (0, 0)>
#map1 = affine_map<(d0, d1) -> (0)>
#map2 = affine_map<(d0, d1) -> (0, 0, 0)>
module attributes {stable_mosaic.version = 14 : i64} {
  func.func @_rewritten_body(%arg0: i32, %arg1: i32, %arg2: memref<8x1152xf32, #tpu.memory_space<hbm>>, %arg3: memref<12x384xf32, #tpu.memory_space<hbm>>, %arg4: memref<1xf32, #tpu.memory_space<hbm>>, %arg5: memref<24x2x16xi32, #tpu.memory_space<hbm>>, %arg6: memref<384xf32, #tpu.memory_space<vmem>>, %arg7: memref<4x384xf32, #tpu.memory_space<vmem>>, %arg8: memref<16xf32, #tpu.memory_space<vmem>>, %arg9: memref<16xi32, #tpu.memory_space<vmem>>, %arg10: memref<2x16xi32, #tpu.memory_space<vmem>>) attributes {dimension_semantics = [#tpu.dimension_semantics<core_parallel>, #tpu.dimension_semantics<subcore_parallel>], iteration_bounds = array<i64: 2, 16>, scalar_prefetch = 0 : i64, scratch_operands = 5 : i64, tpu.core_type = #tpu.core_type<sc_vector_subcore>, window_params = [{transform_indices = #map}, {transform_indices = #map}, {transform_indices = #map1}, {transform_indices = #map2}]} {
    %empty_ref3A = memref.alloca() : memref<16xf32, #tpu.memory_space<vmem>>
    "tpu.region"() ({
      %run_scoped3A = tpu.sem_alloc : memref<!tpu.dma_semaphore, #tpu.memory_space<semaphore_mem>>
      %dma_start3A = arith.constant 0 : i32
      %dma_start3A_3 = tpu.memref_slice %empty_ref3A[%dma_start3A] : memref<16xf32, #tpu.memory_space<vmem>> -> memref<1xf32, #tpu.memory_space<vmem>>
      %dma_start3A_4 = arith.constant 0 : i32
      %dma_start3A_5 = tpu.memref_slice %empty_ref3A[%dma_start3A_4] : memref<16xf32, #tpu.memory_space<vmem>> -> memref<1xf32, #tpu.memory_space<vmem>>
      tpu.enqueue_dma source(%arg4 : memref<1xf32, #tpu.memory_space<hbm>>) target(%dma_start3A_5 : memref<1xf32, #tpu.memory_space<vmem>>) target_semaphore(%run_scoped3A : memref<!tpu.dma_semaphore, #tpu.memory_space<semaphore_mem>>)
      %dma_wait3A = arith.constant 0 : i32
      %dma_wait3A_6 = tpu.memref_slice %empty_ref3A[%dma_wait3A] : memref<16xf32, #tpu.memory_space<vmem>> -> memref<1xf32, #tpu.memory_space<vmem>>
      %dma_wait3A_7 = arith.constant 0 : i32
      %dma_wait3A_8 = tpu.memref_slice %empty_ref3A[%dma_wait3A_7] : memref<16xf32, #tpu.memory_space<vmem>> -> memref<1xf32, #tpu.memory_space<vmem>>
      tpu.wait_dma2 semaphore(%run_scoped3A : memref<!tpu.dma_semaphore, #tpu.memory_space<semaphore_mem>>) src(%arg4 : memref<1xf32, #tpu.memory_space<hbm>>) dst(%dma_wait3A_8 : memref<1xf32, #tpu.memory_space<vmem>>)
      tpu.yield
    }) : () -> ()
    %get3A = arith.constant 0 : index
    %get3A_0 = tpu.vector_load %empty_ref3A[%get3A] {strides = array<i32>} : memref<16xf32, #tpu.memory_space<vmem>>, vector<16xf32>,
    %slice3A = vector.extract_strided_slice %get3A_0 {offsets = [0], sizes = [1], strides = [1]} : vector<16xf32> to vector<1xf32>
    %squeeze3A = vector.extract %slice3A[0] : f32 from vector<1xf32>
    %iota3A = tpu.iota {dimensions = array<i32: 0>} : vector<16xi32>
    %lt3A = arith.constant 12 : i32
    %lt3A_1 = arith.cmpi slt, %arg1, %lt3A : i32
    %convert_element_type3A = arith.extui %lt3A_1 : i1 to i32
    %cond3A = arith.constant 0 : i32
    %cond3A_2 = arith.cmpi ne, %convert_element_type3A, %cond3A : i32
    scf.if %cond3A_2 {
      %mul3A = arith.constant 4 : i32
      %mul3A_3 = arith.muli %arg0, %mul3A : i32
      %jit3A = arith.constant 3 : i32
      %div3A = arith.divsi %arg1, %jit3A : i32
      %sign3A = arith.constant 0 : i32
      %sign3A_4 = arith.cmpi sgt, %arg1, %sign3A : i32
      %sign3A_5 = arith.extui %sign3A_4 : i1 to i32
      %sign3A_6 = arith.constant 0 : i32
      %sign3A_7 = arith.cmpi slt, %arg1, %sign3A_6 : i32
      %sign3A_8 = arith.extui %sign3A_7 : i1 to i32
      %sign3A_9 = arith.subi %sign3A_5, %sign3A_8 : i32
      %sign3A_10 = arith.constant 0 : i32
      %sign3A_11 = arith.cmpi sgt, %jit3A, %sign3A_10 : i32
      %sign3A_12 = arith.extui %sign3A_11 : i1 to i32
      %sign3A_13 = arith.constant 0 : i32
      %sign3A_14 = arith.cmpi slt, %jit3A, %sign3A_13 : i32
      %sign3A_15 = arith.extui %sign3A_14 : i1 to i32
      %sign3A_16 = arith.subi %sign3A_12, %sign3A_15 : i32
      %ne3A = arith.cmpi ne, %sign3A_9, %sign3A_16 : i32
      %rem3A = arith.remsi %arg1, %jit3A : i32
      %ne3A_17 = arith.constant 0 : i32
      %ne3A_18 = arith.cmpi ne, %rem3A, %ne3A_17 : i32
      %and3A = arith.andi %ne3A, %ne3A_18 : i1
      %sub3A = arith.constant 1 : i32
      %sub3A_19 = arith.subi %div3A, %sub3A : i32
      %select_n3A = arith.select %and3A, %sub3A_19, %div3A : i32
      %add3A = arith.addi %mul3A_3, %select_n3A : i32
      %jit3A_20 = arith.constant 3 : i32
      %div3A_21 = arith.divsi %arg1, %jit3A_20 : i32
      %sign3A_22 = arith.constant 0 : i32
      %sign3A_23 = arith.cmpi sgt, %arg1, %sign3A_22 : i32
      %sign3A_24 = arith.extui %sign3A_23 : i1 to i32
      %sign3A_25 = arith.constant 0 : i32
      %sign3A_26 = arith.cmpi slt, %arg1, %sign3A_25 : i32
      %sign3A_27 = arith.extui %sign3A_26 : i1 to i32
      %sign3A_28 = arith.subi %sign3A_24, %sign3A_27 : i32
      %sign3A_29 = arith.constant 0 : i32
      %sign3A_30 = arith.cmpi sgt, %jit3A_20, %sign3A_29 : i32
      %sign3A_31 = arith.extui %sign3A_30 : i1 to i32
      %sign3A_32 = arith.constant 0 : i32
      %sign3A_33 = arith.cmpi slt, %jit3A_20, %sign3A_32 : i32
      %sign3A_34 = arith.extui %sign3A_33 : i1 to i32
      %sign3A_35 = arith.subi %sign3A_31, %sign3A_34 : i32
      %ne3A_36 = arith.cmpi ne, %sign3A_28, %sign3A_35 : i32
      %rem3A_37 = arith.remsi %arg1, %jit3A_20 : i32
      %ne3A_38 = arith.constant 0 : i32
      %ne3A_39 = arith.cmpi ne, %rem3A_37, %ne3A_38 : i32
      %and3A_40 = arith.andi %ne3A_36, %ne3A_39 : i1
      %sub3A_41 = arith.constant 1 : i32
      %sub3A_42 = arith.subi %div3A_21, %sub3A_41 : i32
      %select_n3A_43 = arith.select %and3A_40, %sub3A_42, %div3A_21 : i32
      %mul3A_44 = arith.constant 3 : i32
      %mul3A_45 = arith.muli %select_n3A_43, %mul3A_44 : i32
      %sub3A_46 = arith.subi %arg1, %mul3A_45 : i32
      %eq3A = arith.constant 0 : i32
      %eq3A_47 = arith.cmpi eq, %sub3A_46, %eq3A : i32
      %eq3A_48 = arith.constant 1 : i32
      %eq3A_49 = arith.cmpi eq, %sub3A_46, %eq3A_48 : i32
      %jit3A_50 = arith.constant 241 : i32
      %jit3A_51 = arith.constant 315 : i32
      %select_n3A_52 = arith.select %eq3A_49, %jit3A_50, %jit3A_51 : i32
      %jit3A_53 = arith.constant 361 : i32
      %select_n3A_54 = arith.select %eq3A_47, %jit3A_53, %select_n3A_52 : i32
      %eq3A_55 = arith.constant 0 : i32
      %eq3A_56 = arith.cmpi eq, %sub3A_46, %eq3A_55 : i32
      %eq3A_57 = arith.constant 1 : i32
      %eq3A_58 = arith.cmpi eq, %sub3A_46, %eq3A_57 : i32
      %jit3A_59 = arith.constant 361 : i32
      %jit3A_60 = arith.constant 602 : i32
      %select_n3A_61 = arith.select %eq3A_58, %jit3A_59, %jit3A_60 : i32
      %jit3A_62 = arith.constant 0 : i32
      %select_n3A_63 = arith.select %eq3A_56, %jit3A_62, %select_n3A_61 : i32
      %mul3A_64 = arith.constant 384 : i32
      %mul3A_65 = arith.muli %sub3A_46, %mul3A_64 : i32
      "tpu.region"() ({
        %run_scoped3A = tpu.sem_alloc : memref<!tpu.dma_semaphore, #tpu.memory_space<semaphore_mem>>
        %dma_start3A = tpu.memref_slice %arg2[%add3A, %mul3A_65] : memref<8x1152xf32, #tpu.memory_space<hbm>> -> memref<1x384xf32, #tpu.memory_space<hbm>>
        %dma_start3A_372 = tpu.memref_squeeze %dma_start3A : memref<1x384xf32, #tpu.memory_space<hbm>> -> memref<384xf32, #tpu.memory_space<hbm>>
        %dma_start3A_373 = tpu.memref_slice %arg2[%add3A, %mul3A_65] : memref<8x1152xf32, #tpu.memory_space<hbm>> -> memref<1x384xf32, #tpu.memory_space<hbm>>
        %dma_start3A_374 = tpu.memref_squeeze %dma_start3A_373 : memref<1x384xf32, #tpu.memory_space<hbm>> -> memref<384xf32, #tpu.memory_space<hbm>>
        tpu.enqueue_dma source(%dma_start3A_374 : memref<384xf32, #tpu.memory_space<hbm>>) target(%arg6 : memref<384xf32, #tpu.memory_space<vmem>>) target_semaphore(%run_scoped3A : memref<!tpu.dma_semaphore, #tpu.memory_space<semaphore_mem>>)
        %dma_wait3A = tpu.memref_slice %arg2[%add3A, %mul3A_65] : memref<8x1152xf32, #tpu.memory_space<hbm>> -> memref<1x384xf32, #tpu.memory_space<hbm>>
        %dma_wait3A_375 = tpu.memref_squeeze %dma_wait3A : memref<1x384xf32, #tpu.memory_space<hbm>> -> memref<384xf32, #tpu.memory_space<hbm>>
        %dma_wait3A_376 = tpu.memref_slice %arg2[%add3A, %mul3A_65] : memref<8x1152xf32, #tpu.memory_space<hbm>> -> memref<1x384xf32, #tpu.memory_space<hbm>>
        %dma_wait3A_377 = tpu.memref_squeeze %dma_wait3A_376 : memref<1x384xf32, #tpu.memory_space<hbm>> -> memref<384xf32, #tpu.memory_space<hbm>>
        tpu.wait_dma2 semaphore(%run_scoped3A : memref<!tpu.dma_semaphore, #tpu.memory_space<semaphore_mem>>) src(%dma_wait3A_377 : memref<384xf32, #tpu.memory_space<hbm>>) dst(%arg6 : memref<384xf32, #tpu.memory_space<vmem>>)
        tpu.yield
      }) : () -> ()
      %mul3A_66 = arith.constant 4 : i32
      %mul3A_67 = arith.muli %sub3A_46, %mul3A_66 : i32
      "tpu.region"() ({
        %run_scoped3A = tpu.sem_alloc : memref<!tpu.dma_semaphore, #tpu.memory_space<semaphore_mem>>
        %dma_start3A = arith.constant 0 : i32
        %dma_start3A_372 = tpu.memref_slice %arg3[%mul3A_67, %dma_start3A] : memref<12x384xf32, #tpu.memory_space<hbm>> -> memref<4x384xf32, #tpu.memory_space<hbm>>
        %dma_start3A_373 = arith.constant 0 : i32
        %dma_start3A_374 = tpu.memref_slice %arg3[%mul3A_67, %dma_start3A_373] : memref<12x384xf32, #tpu.memory_space<hbm>> -> memref<4x384xf32, #tpu.memory_space<hbm>>
        tpu.enqueue_dma source(%dma_start3A_374 : memref<4x384xf32, #tpu.memory_space<hbm>>) target(%arg7 : memref<4x384xf32, #tpu.memory_space<vmem>>) target_semaphore(%run_scoped3A : memref<!tpu.dma_semaphore, #tpu.memory_space<semaphore_mem>>)
        %dma_wait3A = arith.constant 0 : i32
        %dma_wait3A_375 = tpu.memref_slice %arg3[%mul3A_67, %dma_wait3A] : memref<12x384xf32, #tpu.memory_space<hbm>> -> memref<4x384xf32, #tpu.memory_space<hbm>>
        %dma_wait3A_376 = arith.constant 0 : i32
        %dma_wait3A_377 = tpu.memref_slice %arg3[%mul3A_67, %dma_wait3A_376] : memref<12x384xf32, #tpu.memory_space<hbm>> -> memref<4x384xf32, #tpu.memory_space<hbm>>
        tpu.wait_dma2 semaphore(%run_scoped3A : memref<!tpu.dma_semaphore, #tpu.memory_space<semaphore_mem>>) src(%dma_wait3A_377 : memref<4x384xf32, #tpu.memory_space<hbm>>) dst(%arg7 : memref<4x384xf32, #tpu.memory_space<vmem>>)
        tpu.yield
      }) : () -> ()
      %broadcast_in_dim3A = vector.broadcast %squeeze3A : f32 to vector<16xf32>
      %broadcast_in_dim3A_68 = arith.constant 0 : i32
      %broadcast_in_dim3A_69 = vector.broadcast %broadcast_in_dim3A_68 : i32 to vector<16xi32>
      %scan3A = arith.constant 0 : i32
      %scan3A_70 = arith.constant 24 : i32
      %scan3A_71 = arith.addi %scan3A, %scan3A_70 : i32
      %scan3A_72 = arith.constant 1 : i32
      %scan3A_73:2 = scf.for %scan3A_372 = %scan3A to %scan3A_71 step %scan3A_72 iter_args(%scan3A_373 = %broadcast_in_dim3A, %scan3A_374 = %broadcast_in_dim3A_69) -> (vector<16xf32>, vector<16xi32>)  : i32 {
        %mul3A_375 = arith.constant 16 : i32
        %mul3A_376 = arith.muli %scan3A_372, %mul3A_375 : i32
        %add3A_377 = vector.broadcast %mul3A_376 : i32 to vector<16xi32>
        %add3A_378 = arith.addi %iota3A, %add3A_377 : vector<16xi32>
        %lt3A_379 = vector.broadcast %select_n3A_54 : i32 to vector<16xi32>
        %lt3A_380 = arith.cmpi slt, %add3A_378, %lt3A_379 : vector<16xi32>
        %get3A_381 = arith.index_cast %mul3A_376 : i32 to index
        %get3A_382 = tpu.vector_load %arg6[%get3A_381] {strides = array<i32>} : memref<384xf32, #tpu.memory_space<vmem>>, vector<16xf32>,
        %broadcast_in_dim3A_383 = vector.broadcast %squeeze3A : f32 to vector<16xf32>
        %select_n3A_384 = arith.select %lt3A_380, %get3A_382, %broadcast_in_dim3A_383 : vector<16xi1>, vector<16xf32>
        %swap3A_385 = arith.index_cast %mul3A_376 : i32 to index
        %swap3A_386 = tpu.vector_load %arg6[%swap3A_385] {strides = array<i32>} : memref<384xf32, #tpu.memory_space<vmem>>, vector<16xf32>,
        tpu.vector_store %arg6[%swap3A_385], %select_n3A_384 {strides = array<i32>} : memref<384xf32, #tpu.memory_space<vmem>>, vector<16xf32>,
        %ge3A = arith.cmpf oge, %select_n3A_384, %scan3A_373 : vector<16xf32>
        %select_n3A_387 = arith.select %ge3A, %select_n3A_384, %scan3A_373 : vector<16xi1>, vector<16xf32>
        %select_n3A_388 = arith.select %ge3A, %add3A_378, %scan3A_374 : vector<16xi1>, vector<16xi32>
        scf.yield %select_n3A_387, %select_n3A_388 : vector<16xf32>, vector<16xi32>
      }
      %scan3A_74 = arith.constant 24 : i32
      %broadcast_in_dim3A_75 = arith.constant 0 : i32
      %broadcast_in_dim3A_76 = vector.broadcast %broadcast_in_dim3A_75 : i32 to vector<16xi32>
      %broadcast_in_dim3A_77 = arith.constant 0.000000e+00 : f32
      %broadcast_in_dim3A_78 = vector.broadcast %broadcast_in_dim3A_77 : f32 to vector<16xf32>
      %broadcast_in_dim3A_79 = arith.constant 0 : i32
      %broadcast_in_dim3A_80 = vector.broadcast %broadcast_in_dim3A_79 : i32 to vector<16xi32>
      %broadcast_in_dim3A_81 = arith.constant 0.000000e+00 : f32
      %broadcast_in_dim3A_82 = vector.broadcast %broadcast_in_dim3A_81 : f32 to vector<16xf32>
      %swap3A = arith.constant 0 : index
      %swap3A_83 = tpu.vector_load %arg8[%swap3A] {strides = array<i32>} : memref<16xf32, #tpu.memory_space<vmem>>, vector<16xf32>,
      tpu.vector_store %arg8[%swap3A], %scan3A_73#0 {strides = array<i32>} : memref<16xf32, #tpu.memory_space<vmem>>, vector<16xf32>,
      %xor3A = arith.constant 8 : i32
      %xor3A_84 = vector.broadcast %xor3A : i32 to vector<16xi32>
      %xor3A_85 = arith.xori %iota3A, %xor3A_84 : vector<16xi32>
      %gather3A = tpu.vector_load_idx %arg8[%xor3A_85] : memref<16xf32, #tpu.memory_space<vmem>>[vector<16xi32>], vector<16xf32>,
      %max3A = arith.maximumf %scan3A_73#0, %gather3A : vector<16xf32>
      %swap3A_86 = arith.constant 0 : index
      %swap3A_87 = tpu.vector_load %arg8[%swap3A_86] {strides = array<i32>} : memref<16xf32, #tpu.memory_space<vmem>>, vector<16xf32>,
      tpu.vector_store %arg8[%swap3A_86], %max3A {strides = array<i32>} : memref<16xf32, #tpu.memory_space<vmem>>, vector<16xf32>,
      %xor3A_88 = arith.constant 4 : i32
      %xor3A_89 = vector.broadcast %xor3A_88 : i32 to vector<16xi32>
      %xor3A_90 = arith.xori %iota3A, %xor3A_89 : vector<16xi32>
      %gather3A_91 = tpu.vector_load_idx %arg8[%xor3A_90] : memref<16xf32, #tpu.memory_space<vmem>>[vector<16xi32>], vector<16xf32>,
      %max3A_92 = arith.maximumf %max3A, %gather3A_91 : vector<16xf32>
      %swap3A_93 = arith.constant 0 : index
      %swap3A_94 = tpu.vector_load %arg8[%swap3A_93] {strides = array<i32>} : memref<16xf32, #tpu.memory_space<vmem>>, vector<16xf32>,
      tpu.vector_store %arg8[%swap3A_93], %max3A_92 {strides = array<i32>} : memref<16xf32, #tpu.memory_space<vmem>>, vector<16xf32>,
      %xor3A_95 = arith.constant 2 : i32
      %xor3A_96 = vector.broadcast %xor3A_95 : i32 to vector<16xi32>
      %xor3A_97 = arith.xori %iota3A, %xor3A_96 : vector<16xi32>
      %gather3A_98 = tpu.vector_load_idx %arg8[%xor3A_97] : memref<16xf32, #tpu.memory_space<vmem>>[vector<16xi32>], vector<16xf32>,
      %max3A_99 = arith.maximumf %max3A_92, %gather3A_98 : vector<16xf32>
      %swap3A_100 = arith.constant 0 : index
      %swap3A_101 = tpu.vector_load %arg8[%swap3A_100] {strides = array<i32>} : memref<16xf32, #tpu.memory_space<vmem>>, vector<16xf32>,
      tpu.vector_store %arg8[%swap3A_100], %max3A_99 {strides = array<i32>} : memref<16xf32, #tpu.memory_space<vmem>>, vector<16xf32>,
      %xor3A_102 = arith.constant 1 : i32
      %xor3A_103 = vector.broadcast %xor3A_102 : i32 to vector<16xi32>
      %xor3A_104 = arith.xori %iota3A, %xor3A_103 : vector<16xi32>
      %gather3A_105 = tpu.vector_load_idx %arg8[%xor3A_104] : memref<16xf32, #tpu.memory_space<vmem>>[vector<16xi32>], vector<16xf32>,
      %max3A_106 = arith.maximumf %max3A_99, %gather3A_105 : vector<16xf32>
      %ne3A_107 = vector.broadcast %squeeze3A : f32 to vector<16xf32>
      %ne3A_108 = arith.cmpf one, %max3A_106, %ne3A_107 : vector<16xf32>
      %eq3A_109 = arith.cmpf oeq, %scan3A_73#0, %max3A_106 : vector<16xf32>
      %jit3A_110 = arith.constant -1 : i32
      %broadcast_in_dim3A_111 = vector.broadcast %jit3A_110 : i32 to vector<16xi32>
      %select_n3A_112 = arith.select %eq3A_109, %scan3A_73#1, %broadcast_in_dim3A_111 : vector<16xi1>, vector<16xi32>
      %swap3A_113 = arith.constant 0 : index
      %swap3A_114 = tpu.vector_load %arg9[%swap3A_113] {strides = array<i32>} : memref<16xi32, #tpu.memory_space<vmem>>, vector<16xi32>,
      tpu.vector_store %arg9[%swap3A_113], %select_n3A_112 {strides = array<i32>} : memref<16xi32, #tpu.memory_space<vmem>>, vector<16xi32>,
      %xor3A_115 = arith.constant 8 : i32
      %xor3A_116 = vector.broadcast %xor3A_115 : i32 to vector<16xi32>
      %xor3A_117 = arith.xori %iota3A, %xor3A_116 : vector<16xi32>
      %gather3A_118 = tpu.vector_load_idx %arg9[%xor3A_117] : memref<16xi32, #tpu.memory_space<vmem>>[vector<16xi32>], vector<16xi32>,
      %max3A_119 = arith.maxsi %select_n3A_112, %gather3A_118 : vector<16xi32>
      %swap3A_120 = arith.constant 0 : index
      %swap3A_121 = tpu.vector_load %arg9[%swap3A_120] {strides = array<i32>} : memref<16xi32, #tpu.memory_space<vmem>>, vector<16xi32>,
      tpu.vector_store %arg9[%swap3A_120], %max3A_119 {strides = array<i32>} : memref<16xi32, #tpu.memory_space<vmem>>, vector<16xi32>,
      %xor3A_122 = arith.constant 4 : i32
      %xor3A_123 = vector.broadcast %xor3A_122 : i32 to vector<16xi32>
      %xor3A_124 = arith.xori %iota3A, %xor3A_123 : vector<16xi32>
      %gather3A_125 = tpu.vector_load_idx %arg9[%xor3A_124] : memref<16xi32, #tpu.memory_space<vmem>>[vector<16xi32>], vector<16xi32>,
      %max3A_126 = arith.maxsi %max3A_119, %gather3A_125 : vector<16xi32>
      %swap3A_127 = arith.constant 0 : index
      %swap3A_128 = tpu.vector_load %arg9[%swap3A_127] {strides = array<i32>} : memref<16xi32, #tpu.memory_space<vmem>>, vector<16xi32>,
      tpu.vector_store %arg9[%swap3A_127], %max3A_126 {strides = array<i32>} : memref<16xi32, #tpu.memory_space<vmem>>, vector<16xi32>,
      %xor3A_129 = arith.constant 2 : i32
      %xor3A_130 = vector.broadcast %xor3A_129 : i32 to vector<16xi32>
      %xor3A_131 = arith.xori %iota3A, %xor3A_130 : vector<16xi32>
      %gather3A_132 = tpu.vector_load_idx %arg9[%xor3A_131] : memref<16xi32, #tpu.memory_space<vmem>>[vector<16xi32>], vector<16xi32>,
      %max3A_133 = arith.maxsi %max3A_126, %gather3A_132 : vector<16xi32>
      %swap3A_134 = arith.constant 0 : index
      %swap3A_135 = tpu.vector_load %arg9[%swap3A_134] {strides = array<i32>} : memref<16xi32, #tpu.memory_space<vmem>>, vector<16xi32>,
      tpu.vector_store %arg9[%swap3A_134], %max3A_133 {strides = array<i32>} : memref<16xi32, #tpu.memory_space<vmem>>, vector<16xi32>,
      %xor3A_136 = arith.constant 1 : i32
      %xor3A_137 = vector.broadcast %xor3A_136 : i32 to vector<16xi32>
      %xor3A_138 = arith.xori %iota3A, %xor3A_137 : vector<16xi32>
      %gather3A_139 = tpu.vector_load_idx %arg9[%xor3A_138] : memref<16xi32, #tpu.memory_space<vmem>>[vector<16xi32>], vector<16xi32>,
      %max3A_140 = arith.maxsi %max3A_133, %gather3A_139 : vector<16xi32>
      %select_n3A_141 = arith.select %ne3A_108, %max3A_140, %broadcast_in_dim3A_80 : vector<16xi1>, vector<16xi32>
      %select_n3A_142 = arith.select %ne3A_108, %max3A_106, %broadcast_in_dim3A_82 : vector<16xi1>, vector<16xf32>
      %eq3A_143 = arith.constant 0 : i32
      %eq3A_144 = vector.broadcast %eq3A_143 : i32 to vector<16xi32>
      %eq3A_145 = arith.cmpi eq, %iota3A, %eq3A_144 : vector<16xi32>
      %add3A_146 = vector.broadcast %select_n3A_63 : i32 to vector<16xi32>
      %add3A_147 = arith.addi %select_n3A_141, %add3A_146 : vector<16xi32>
      %select_n3A_148 = arith.select %eq3A_145, %add3A_147, %broadcast_in_dim3A_76 : vector<16xi1>, vector<16xi32>
      %eq3A_149 = arith.constant 0 : i32
      %eq3A_150 = vector.broadcast %eq3A_149 : i32 to vector<16xi32>
      %eq3A_151 = arith.cmpi eq, %iota3A, %eq3A_150 : vector<16xi32>
      %select_n3A_152 = arith.select %eq3A_151, %select_n3A_142, %broadcast_in_dim3A_78 : vector<16xi1>, vector<16xf32>
      %broadcast_in_dim3A_153 = arith.constant 0 : i32
      %broadcast_in_dim3A_154 = vector.broadcast %broadcast_in_dim3A_153 : i32 to vector<16xi32>
      %gather3A_155 = tpu.vector_load_idx %arg7[%broadcast_in_dim3A_154, %select_n3A_141] : memref<4x384xf32, #tpu.memory_space<vmem>>[vector<16xi32>, vector<16xi32>], vector<16xf32>,
      %broadcast_in_dim3A_156 = arith.constant 1 : i32
      %broadcast_in_dim3A_157 = vector.broadcast %broadcast_in_dim3A_156 : i32 to vector<16xi32>
      %gather3A_158 = tpu.vector_load_idx %arg7[%broadcast_in_dim3A_157, %select_n3A_141] : memref<4x384xf32, #tpu.memory_space<vmem>>[vector<16xi32>, vector<16xi32>], vector<16xf32>,
      %broadcast_in_dim3A_159 = arith.constant 2 : i32
      %broadcast_in_dim3A_160 = vector.broadcast %broadcast_in_dim3A_159 : i32 to vector<16xi32>
      %gather3A_161 = tpu.vector_load_idx %arg7[%broadcast_in_dim3A_160, %select_n3A_141] : memref<4x384xf32, #tpu.memory_space<vmem>>[vector<16xi32>, vector<16xi32>], vector<16xf32>,
      %broadcast_in_dim3A_162 = arith.constant 3 : i32
      %broadcast_in_dim3A_163 = vector.broadcast %broadcast_in_dim3A_162 : i32 to vector<16xi32>
      %gather3A_164 = tpu.vector_load_idx %arg7[%broadcast_in_dim3A_163, %select_n3A_141] : memref<4x384xf32, #tpu.memory_space<vmem>>[vector<16xi32>, vector<16xi32>], vector<16xf32>,
      %sub3A_165 = arith.subf %gather3A_161, %gather3A_155 : vector<16xf32>
      %add3A_166 = arith.constant 1.000000e+00 : f32
      %add3A_167 = vector.broadcast %add3A_166 : f32 to vector<16xf32>
      %add3A_168 = arith.addf %sub3A_165, %add3A_167 : vector<16xf32>
      %sub3A_169 = arith.subf %gather3A_164, %gather3A_158 : vector<16xf32>
      %add3A_170 = arith.constant 1.000000e+00 : f32
      %add3A_171 = vector.broadcast %add3A_170 : f32 to vector<16xf32>
      %add3A_172 = arith.addf %sub3A_169, %add3A_171 : vector<16xf32>
      %mul3A_173 = arith.mulf %add3A_168, %add3A_172 : vector<16xf32>
      %broadcast_in_dim3A_174 = vector.broadcast %squeeze3A : f32 to vector<16xf32>
      %broadcast_in_dim3A_175 = arith.constant 0 : i32
      %broadcast_in_dim3A_176 = vector.broadcast %broadcast_in_dim3A_175 : i32 to vector<16xi32>
      %scan3A_177 = arith.constant 0 : i32
      %scan3A_178 = arith.constant 24 : i32
      %scan3A_179 = arith.addi %scan3A_177, %scan3A_178 : i32
      %scan3A_180 = arith.constant 1 : i32
      %scan3A_181:2 = scf.for %scan3A_372 = %scan3A_177 to %scan3A_179 step %scan3A_180 iter_args(%scan3A_373 = %broadcast_in_dim3A_174, %scan3A_374 = %broadcast_in_dim3A_176) -> (vector<16xf32>, vector<16xi32>)  : i32 {
        %mul3A_375 = arith.constant 16 : i32
        %mul3A_376 = arith.muli %scan3A_372, %mul3A_375 : i32
        %get3A_377 = arith.constant 0 : i32
        %get3A_378 = arith.index_cast %get3A_377 : i32 to index
        %get3A_379 = arith.index_cast %mul3A_376 : i32 to index
        %get3A_380 = tpu.vector_load %arg7[%get3A_378, %get3A_379] {strides = array<i32>} : memref<4x384xf32, #tpu.memory_space<vmem>>, vector<16xf32>,
        %get3A_381 = arith.constant 1 : i32
        %get3A_382 = arith.index_cast %get3A_381 : i32 to index
        %get3A_383 = arith.index_cast %mul3A_376 : i32 to index
        %get3A_384 = tpu.vector_load %arg7[%get3A_382, %get3A_383] {strides = array<i32>} : memref<4x384xf32, #tpu.memory_space<vmem>>, vector<16xf32>,
        %get3A_385 = arith.constant 2 : i32
        %get3A_386 = arith.index_cast %get3A_385 : i32 to index
        %get3A_387 = arith.index_cast %mul3A_376 : i32 to index
        %get3A_388 = tpu.vector_load %arg7[%get3A_386, %get3A_387] {strides = array<i32>} : memref<4x384xf32, #tpu.memory_space<vmem>>, vector<16xf32>,
        %get3A_389 = arith.constant 3 : i32
        %get3A_390 = arith.index_cast %get3A_389 : i32 to index
        %get3A_391 = arith.index_cast %mul3A_376 : i32 to index
        %get3A_392 = tpu.vector_load %arg7[%get3A_390, %get3A_391] {strides = array<i32>} : memref<4x384xf32, #tpu.memory_space<vmem>>, vector<16xf32>,
        %min3A = arith.minimumf %get3A_388, %gather3A_161 : vector<16xf32>
        %max3A_393 = arith.maximumf %get3A_380, %gather3A_155 : vector<16xf32>
        %sub3A_394 = arith.subf %min3A, %max3A_393 : vector<16xf32>
        %add3A_395 = arith.constant 1.000000e+00 : f32
        %add3A_396 = vector.broadcast %add3A_395 : f32 to vector<16xf32>
        %add3A_397 = arith.addf %sub3A_394, %add3A_396 : vector<16xf32>
        %min3A_398 = arith.minimumf %get3A_392, %gather3A_164 : vector<16xf32>
        %max3A_399 = arith.maximumf %get3A_384, %gather3A_158 : vector<16xf32>
        %sub3A_400 = arith.subf %min3A_398, %max3A_399 : vector<16xf32>
        %add3A_401 = arith.constant 1.000000e+00 : f32
        %add3A_402 = vector.broadcast %add3A_401 : f32 to vector<16xf32>
        %add3A_403 = arith.addf %sub3A_400, %add3A_402 : vector<16xf32>
        %lt3A_404 = arith.constant 0.000000e+00 : f32
        %lt3A_405 = vector.broadcast %lt3A_404 : f32 to vector<16xf32>
        %lt3A_406 = arith.cmpf olt, %add3A_397, %lt3A_405 : vector<16xf32>
        %lt3A_407 = arith.constant 0.000000e+00 : f32
        %lt3A_408 = vector.broadcast %lt3A_407 : f32 to vector<16xf32>
        %lt3A_409 = arith.cmpf olt, %add3A_403, %lt3A_408 : vector<16xf32>
        %or3A = arith.ori %lt3A_406, %lt3A_409 : vector<16xi1>
        %mul3A_410 = arith.mulf %add3A_397, %add3A_403 : vector<16xf32>
        %jit3A_411 = arith.constant 0.000000e+00 : f32
        %broadcast_in_dim3A_412 = vector.broadcast %jit3A_411 : f32 to vector<16xf32>
        %select_n3A_413 = arith.select %or3A, %broadcast_in_dim3A_412, %mul3A_410 : vector<16xi1>, vector<16xf32>
        %sub3A_414 = arith.subf %get3A_388, %get3A_380 : vector<16xf32>
        %add3A_415 = arith.constant 1.000000e+00 : f32
        %add3A_416 = vector.broadcast %add3A_415 : f32 to vector<16xf32>
        %add3A_417 = arith.addf %sub3A_414, %add3A_416 : vector<16xf32>
        %sub3A_418 = arith.subf %get3A_392, %get3A_384 : vector<16xf32>
        %add3A_419 = arith.constant 1.000000e+00 : f32
        %add3A_420 = vector.broadcast %add3A_419 : f32 to vector<16xf32>
        %add3A_421 = arith.addf %sub3A_418, %add3A_420 : vector<16xf32>
        %mul3A_422 = arith.mulf %add3A_417, %add3A_421 : vector<16xf32>
        %add3A_423 = arith.addf %mul3A_422, %mul3A_173 : vector<16xf32>
        %sub3A_424 = arith.subf %add3A_423, %select_n3A_413 : vector<16xf32>
        %mul3A_425 = arith.constant 2.500000e-01 : f32
        %mul3A_426 = vector.broadcast %mul3A_425 : f32 to vector<16xf32>
        %mul3A_427 = arith.mulf %mul3A_426, %sub3A_424 : vector<16xf32>
        %le3A = arith.cmpf ole, %select_n3A_413, %mul3A_427 : vector<16xf32>
        %add3A_428 = vector.broadcast %mul3A_376 : i32 to vector<16xi32>
        %add3A_429 = arith.addi %iota3A, %add3A_428 : vector<16xi32>
        %ne3A_430 = arith.cmpi ne, %add3A_429, %select_n3A_141 : vector<16xi32>
        %and3A_431 = arith.andi %le3A, %ne3A_430 : vector<16xi1>
        %get3A_432 = arith.index_cast %mul3A_376 : i32 to index
        %get3A_433 = tpu.vector_load %arg6[%get3A_432] {strides = array<i32>} : memref<384xf32, #tpu.memory_space<vmem>>, vector<16xf32>,
        %broadcast_in_dim3A_434 = vector.broadcast %squeeze3A : f32 to vector<16xf32>
        %select_n3A_435 = arith.select %and3A_431, %get3A_433, %broadcast_in_dim3A_434 : vector<16xi1>, vector<16xf32>
        %swap3A_436 = arith.index_cast %mul3A_376 : i32 to index
        %swap3A_437 = tpu.vector_load %arg6[%swap3A_436] {strides = array<i32>} : memref<384xf32, #tpu.memory_space<vmem>>, vector<16xf32>,
        tpu.vector_store %arg6[%swap3A_436], %select_n3A_435 {strides = array<i32>} : memref<384xf32, #tpu.memory_space<vmem>>, vector<16xf32>,
        %ge3A = arith.cmpf oge, %select_n3A_435, %scan3A_373 : vector<16xf32>
        %select_n3A_438 = arith.select %ge3A, %select_n3A_435, %scan3A_373 : vector<16xi1>, vector<16xf32>
        %add3A_439 = vector.broadcast %mul3A_376 : i32 to vector<16xi32>
        %add3A_440 = arith.addi %iota3A, %add3A_439 : vector<16xi32>
        %select_n3A_441 = arith.select %ge3A, %add3A_440, %scan3A_374 : vector<16xi1>, vector<16xi32>
        scf.yield %select_n3A_438, %select_n3A_441 : vector<16xf32>, vector<16xi32>
      }
      %scan3A_182 = arith.constant 24 : i32
      %swap3A_183 = arith.constant 0 : index
      %swap3A_184 = tpu.vector_load %arg8[%swap3A_183] {strides = array<i32>} : memref<16xf32, #tpu.memory_space<vmem>>, vector<16xf32>,
      tpu.vector_store %arg8[%swap3A_183], %scan3A_181#0 {strides = array<i32>} : memref<16xf32, #tpu.memory_space<vmem>>, vector<16xf32>,
      %xor3A_185 = arith.constant 8 : i32
      %xor3A_186 = vector.broadcast %xor3A_185 : i32 to vector<16xi32>
      %xor3A_187 = arith.xori %iota3A, %xor3A_186 : vector<16xi32>
      %gather3A_188 = tpu.vector_load_idx %arg8[%xor3A_187] : memref<16xf32, #tpu.memory_space<vmem>>[vector<16xi32>], vector<16xf32>,
      %max3A_189 = arith.maximumf %scan3A_181#0, %gather3A_188 : vector<16xf32>
      %swap3A_190 = arith.constant 0 : index
      %swap3A_191 = tpu.vector_load %arg8[%swap3A_190] {strides = array<i32>} : memref<16xf32, #tpu.memory_space<vmem>>, vector<16xf32>,
      tpu.vector_store %arg8[%swap3A_190], %max3A_189 {strides = array<i32>} : memref<16xf32, #tpu.memory_space<vmem>>, vector<16xf32>,
      %xor3A_192 = arith.constant 4 : i32
      %xor3A_193 = vector.broadcast %xor3A_192 : i32 to vector<16xi32>
      %xor3A_194 = arith.xori %iota3A, %xor3A_193 : vector<16xi32>
      %gather3A_195 = tpu.vector_load_idx %arg8[%xor3A_194] : memref<16xf32, #tpu.memory_space<vmem>>[vector<16xi32>], vector<16xf32>,
      %max3A_196 = arith.maximumf %max3A_189, %gather3A_195 : vector<16xf32>
      %swap3A_197 = arith.constant 0 : index
      %swap3A_198 = tpu.vector_load %arg8[%swap3A_197] {strides = array<i32>} : memref<16xf32, #tpu.memory_space<vmem>>, vector<16xf32>,
      tpu.vector_store %arg8[%swap3A_197], %max3A_196 {strides = array<i32>} : memref<16xf32, #tpu.memory_space<vmem>>, vector<16xf32>,
      %xor3A_199 = arith.constant 2 : i32
      %xor3A_200 = vector.broadcast %xor3A_199 : i32 to vector<16xi32>
      %xor3A_201 = arith.xori %iota3A, %xor3A_200 : vector<16xi32>
      %gather3A_202 = tpu.vector_load_idx %arg8[%xor3A_201] : memref<16xf32, #tpu.memory_space<vmem>>[vector<16xi32>], vector<16xf32>,
      %max3A_203 = arith.maximumf %max3A_196, %gather3A_202 : vector<16xf32>
      %swap3A_204 = arith.constant 0 : index
      %swap3A_205 = tpu.vector_load %arg8[%swap3A_204] {strides = array<i32>} : memref<16xf32, #tpu.memory_space<vmem>>, vector<16xf32>,
      tpu.vector_store %arg8[%swap3A_204], %max3A_203 {strides = array<i32>} : memref<16xf32, #tpu.memory_space<vmem>>, vector<16xf32>,
      %xor3A_206 = arith.constant 1 : i32
      %xor3A_207 = vector.broadcast %xor3A_206 : i32 to vector<16xi32>
      %xor3A_208 = arith.xori %iota3A, %xor3A_207 : vector<16xi32>
      %gather3A_209 = tpu.vector_load_idx %arg8[%xor3A_208] : memref<16xf32, #tpu.memory_space<vmem>>[vector<16xi32>], vector<16xf32>,
      %max3A_210 = arith.maximumf %max3A_203, %gather3A_209 : vector<16xf32>
      %ne3A_211 = vector.broadcast %squeeze3A : f32 to vector<16xf32>
      %ne3A_212 = arith.cmpf one, %max3A_210, %ne3A_211 : vector<16xf32>
      %eq3A_213 = arith.cmpf oeq, %scan3A_181#0, %max3A_210 : vector<16xf32>
      %jit3A_214 = arith.constant -1 : i32
      %broadcast_in_dim3A_215 = vector.broadcast %jit3A_214 : i32 to vector<16xi32>
      %select_n3A_216 = arith.select %eq3A_213, %scan3A_181#1, %broadcast_in_dim3A_215 : vector<16xi1>, vector<16xi32>
      %swap3A_217 = arith.constant 0 : index
      %swap3A_218 = tpu.vector_load %arg9[%swap3A_217] {strides = array<i32>} : memref<16xi32, #tpu.memory_space<vmem>>, vector<16xi32>,
      tpu.vector_store %arg9[%swap3A_217], %select_n3A_216 {strides = array<i32>} : memref<16xi32, #tpu.memory_space<vmem>>, vector<16xi32>,
      %xor3A_219 = arith.constant 8 : i32
      %xor3A_220 = vector.broadcast %xor3A_219 : i32 to vector<16xi32>
      %xor3A_221 = arith.xori %iota3A, %xor3A_220 : vector<16xi32>
      %gather3A_222 = tpu.vector_load_idx %arg9[%xor3A_221] : memref<16xi32, #tpu.memory_space<vmem>>[vector<16xi32>], vector<16xi32>,
      %max3A_223 = arith.maxsi %select_n3A_216, %gather3A_222 : vector<16xi32>
      %swap3A_224 = arith.constant 0 : index
      %swap3A_225 = tpu.vector_load %arg9[%swap3A_224] {strides = array<i32>} : memref<16xi32, #tpu.memory_space<vmem>>, vector<16xi32>,
      tpu.vector_store %arg9[%swap3A_224], %max3A_223 {strides = array<i32>} : memref<16xi32, #tpu.memory_space<vmem>>, vector<16xi32>,
      %xor3A_226 = arith.constant 4 : i32
      %xor3A_227 = vector.broadcast %xor3A_226 : i32 to vector<16xi32>
      %xor3A_228 = arith.xori %iota3A, %xor3A_227 : vector<16xi32>
      %gather3A_229 = tpu.vector_load_idx %arg9[%xor3A_228] : memref<16xi32, #tpu.memory_space<vmem>>[vector<16xi32>], vector<16xi32>,
      %max3A_230 = arith.maxsi %max3A_223, %gather3A_229 : vector<16xi32>
      %swap3A_231 = arith.constant 0 : index
      %swap3A_232 = tpu.vector_load %arg9[%swap3A_231] {strides = array<i32>} : memref<16xi32, #tpu.memory_space<vmem>>, vector<16xi32>,
      tpu.vector_store %arg9[%swap3A_231], %max3A_230 {strides = array<i32>} : memref<16xi32, #tpu.memory_space<vmem>>, vector<16xi32>,
      %xor3A_233 = arith.constant 2 : i32
      %xor3A_234 = vector.broadcast %xor3A_233 : i32 to vector<16xi32>
      %xor3A_235 = arith.xori %iota3A, %xor3A_234 : vector<16xi32>
      %gather3A_236 = tpu.vector_load_idx %arg9[%xor3A_235] : memref<16xi32, #tpu.memory_space<vmem>>[vector<16xi32>], vector<16xi32>,
      %max3A_237 = arith.maxsi %max3A_230, %gather3A_236 : vector<16xi32>
      %swap3A_238 = arith.constant 0 : index
      %swap3A_239 = tpu.vector_load %arg9[%swap3A_238] {strides = array<i32>} : memref<16xi32, #tpu.memory_space<vmem>>, vector<16xi32>,
      tpu.vector_store %arg9[%swap3A_238], %max3A_237 {strides = array<i32>} : memref<16xi32, #tpu.memory_space<vmem>>, vector<16xi32>,
      %xor3A_240 = arith.constant 1 : i32
      %xor3A_241 = vector.broadcast %xor3A_240 : i32 to vector<16xi32>
      %xor3A_242 = arith.xori %iota3A, %xor3A_241 : vector<16xi32>
      %gather3A_243 = tpu.vector_load_idx %arg9[%xor3A_242] : memref<16xi32, #tpu.memory_space<vmem>>[vector<16xi32>], vector<16xi32>,
      %max3A_244 = arith.maxsi %max3A_237, %gather3A_243 : vector<16xi32>
      %select_n3A_245 = arith.select %ne3A_212, %max3A_244, %select_n3A_141 : vector<16xi1>, vector<16xi32>
      %select_n3A_246 = arith.select %ne3A_212, %max3A_210, %select_n3A_142 : vector<16xi1>, vector<16xf32>
      %eq3A_247 = arith.constant 1 : i32
      %eq3A_248 = vector.broadcast %eq3A_247 : i32 to vector<16xi32>
      %eq3A_249 = arith.cmpi eq, %iota3A, %eq3A_248 : vector<16xi32>
      %add3A_250 = vector.broadcast %select_n3A_63 : i32 to vector<16xi32>
      %add3A_251 = arith.addi %select_n3A_245, %add3A_250 : vector<16xi32>
      %select_n3A_252 = arith.select %eq3A_249, %add3A_251, %select_n3A_148 : vector<16xi1>, vector<16xi32>
      %eq3A_253 = arith.constant 1 : i32
      %eq3A_254 = vector.broadcast %eq3A_253 : i32 to vector<16xi32>
      %eq3A_255 = arith.cmpi eq, %iota3A, %eq3A_254 : vector<16xi32>
      %select_n3A_256 = arith.select %eq3A_255, %select_n3A_246, %select_n3A_152 : vector<16xi1>, vector<16xf32>
      %broadcast_in_dim3A_257 = arith.constant 0 : i32
      %broadcast_in_dim3A_258 = vector.broadcast %broadcast_in_dim3A_257 : i32 to vector<16xi32>
      %gather3A_259 = tpu.vector_load_idx %arg7[%broadcast_in_dim3A_258, %select_n3A_245] : memref<4x384xf32, #tpu.memory_space<vmem>>[vector<16xi32>, vector<16xi32>], vector<16xf32>,
      %broadcast_in_dim3A_260 = arith.constant 1 : i32
      %broadcast_in_dim3A_261 = vector.broadcast %broadcast_in_dim3A_260 : i32 to vector<16xi32>
      %gather3A_262 = tpu.vector_load_idx %arg7[%broadcast_in_dim3A_261, %select_n3A_245] : memref<4x384xf32, #tpu.memory_space<vmem>>[vector<16xi32>, vector<16xi32>], vector<16xf32>,
      %broadcast_in_dim3A_263 = arith.constant 2 : i32
      %broadcast_in_dim3A_264 = vector.broadcast %broadcast_in_dim3A_263 : i32 to vector<16xi32>
      %gather3A_265 = tpu.vector_load_idx %arg7[%broadcast_in_dim3A_264, %select_n3A_245] : memref<4x384xf32, #tpu.memory_space<vmem>>[vector<16xi32>, vector<16xi32>], vector<16xf32>,
      %broadcast_in_dim3A_266 = arith.constant 3 : i32
      %broadcast_in_dim3A_267 = vector.broadcast %broadcast_in_dim3A_266 : i32 to vector<16xi32>
      %gather3A_268 = tpu.vector_load_idx %arg7[%broadcast_in_dim3A_267, %select_n3A_245] : memref<4x384xf32, #tpu.memory_space<vmem>>[vector<16xi32>, vector<16xi32>], vector<16xf32>,
      %sub3A_269 = arith.subf %gather3A_265, %gather3A_259 : vector<16xf32>
      %add3A_270 = arith.constant 1.000000e+00 : f32
      %add3A_271 = vector.broadcast %add3A_270 : f32 to vector<16xf32>
      %add3A_272 = arith.addf %sub3A_269, %add3A_271 : vector<16xf32>
      %sub3A_273 = arith.subf %gather3A_268, %gather3A_262 : vector<16xf32>
      %add3A_274 = arith.constant 1.000000e+00 : f32
      %add3A_275 = vector.broadcast %add3A_274 : f32 to vector<16xf32>
      %add3A_276 = arith.addf %sub3A_273, %add3A_275 : vector<16xf32>
      %mul3A_277 = arith.mulf %add3A_272, %add3A_276 : vector<16xf32>
      %broadcast_in_dim3A_278 = vector.broadcast %squeeze3A : f32 to vector<16xf32>
      %broadcast_in_dim3A_279 = arith.constant 0 : i32
      %broadcast_in_dim3A_280 = vector.broadcast %broadcast_in_dim3A_279 : i32 to vector<16xi32>
      %scan3A_281 = arith.constant 0 : i32
      %scan3A_282 = arith.constant 24 : i32
      %scan3A_283 = arith.addi %scan3A_281, %scan3A_282 : i32
      %scan3A_284 = arith.constant 1 : i32
      %scan3A_285:2 = scf.for %scan3A_372 = %scan3A_281 to %scan3A_283 step %scan3A_284 iter_args(%scan3A_373 = %broadcast_in_dim3A_278, %scan3A_374 = %broadcast_in_dim3A_280) -> (vector<16xf32>, vector<16xi32>)  : i32 {
        %mul3A_375 = arith.constant 16 : i32
        %mul3A_376 = arith.muli %scan3A_372, %mul3A_375 : i32
        %get3A_377 = arith.constant 0 : i32
        %get3A_378 = arith.index_cast %get3A_377 : i32 to index
        %get3A_379 = arith.index_cast %mul3A_376 : i32 to index
        %get3A_380 = tpu.vector_load %arg7[%get3A_378, %get3A_379] {strides = array<i32>} : memref<4x384xf32, #tpu.memory_space<vmem>>, vector<16xf32>,
        %get3A_381 = arith.constant 1 : i32
        %get3A_382 = arith.index_cast %get3A_381 : i32 to index
        %get3A_383 = arith.index_cast %mul3A_376 : i32 to index
        %get3A_384 = tpu.vector_load %arg7[%get3A_382, %get3A_383] {strides = array<i32>} : memref<4x384xf32, #tpu.memory_space<vmem>>, vector<16xf32>,
        %get3A_385 = arith.constant 2 : i32
        %get3A_386 = arith.index_cast %get3A_385 : i32 to index
        %get3A_387 = arith.index_cast %mul3A_376 : i32 to index
        %get3A_388 = tpu.vector_load %arg7[%get3A_386, %get3A_387] {strides = array<i32>} : memref<4x384xf32, #tpu.memory_space<vmem>>, vector<16xf32>,
        %get3A_389 = arith.constant 3 : i32
        %get3A_390 = arith.index_cast %get3A_389 : i32 to index
        %get3A_391 = arith.index_cast %mul3A_376 : i32 to index
        %get3A_392 = tpu.vector_load %arg7[%get3A_390, %get3A_391] {strides = array<i32>} : memref<4x384xf32, #tpu.memory_space<vmem>>, vector<16xf32>,
        %min3A = arith.minimumf %get3A_388, %gather3A_265 : vector<16xf32>
        %max3A_393 = arith.maximumf %get3A_380, %gather3A_259 : vector<16xf32>
        %sub3A_394 = arith.subf %min3A, %max3A_393 : vector<16xf32>
        %add3A_395 = arith.constant 1.000000e+00 : f32
        %add3A_396 = vector.broadcast %add3A_395 : f32 to vector<16xf32>
        %add3A_397 = arith.addf %sub3A_394, %add3A_396 : vector<16xf32>
        %min3A_398 = arith.minimumf %get3A_392, %gather3A_268 : vector<16xf32>
        %max3A_399 = arith.maximumf %get3A_384, %gather3A_262 : vector<16xf32>
        %sub3A_400 = arith.subf %min3A_398, %max3A_399 : vector<16xf32>
        %add3A_401 = arith.constant 1.000000e+00 : f32
        %add3A_402 = vector.broadcast %add3A_401 : f32 to vector<16xf32>
        %add3A_403 = arith.addf %sub3A_400, %add3A_402 : vector<16xf32>
        %lt3A_404 = arith.constant 0.000000e+00 : f32
        %lt3A_405 = vector.broadcast %lt3A_404 : f32 to vector<16xf32>
        %lt3A_406 = arith.cmpf olt, %add3A_397, %lt3A_405 : vector<16xf32>
        %lt3A_407 = arith.constant 0.000000e+00 : f32
        %lt3A_408 = vector.broadcast %lt3A_407 : f32 to vector<16xf32>
        %lt3A_409 = arith.cmpf olt, %add3A_403, %lt3A_408 : vector<16xf32>
        %or3A = arith.ori %lt3A_406, %lt3A_409 : vector<16xi1>
        %mul3A_410 = arith.mulf %add3A_397, %add3A_403 : vector<16xf32>
        %jit3A_411 = arith.constant 0.000000e+00 : f32
        %broadcast_in_dim3A_412 = vector.broadcast %jit3A_411 : f32 to vector<16xf32>
        %select_n3A_413 = arith.select %or3A, %broadcast_in_dim3A_412, %mul3A_410 : vector<16xi1>, vector<16xf32>
        %sub3A_414 = arith.subf %get3A_388, %get3A_380 : vector<16xf32>
        %add3A_415 = arith.constant 1.000000e+00 : f32
        %add3A_416 = vector.broadcast %add3A_415 : f32 to vector<16xf32>
        %add3A_417 = arith.addf %sub3A_414, %add3A_416 : vector<16xf32>
        %sub3A_418 = arith.subf %get3A_392, %get3A_384 : vector<16xf32>
        %add3A_419 = arith.constant 1.000000e+00 : f32
        %add3A_420 = vector.broadcast %add3A_419 : f32 to vector<16xf32>
        %add3A_421 = arith.addf %sub3A_418, %add3A_420 : vector<16xf32>
        %mul3A_422 = arith.mulf %add3A_417, %add3A_421 : vector<16xf32>
        %add3A_423 = arith.addf %mul3A_422, %mul3A_277 : vector<16xf32>
        %sub3A_424 = arith.subf %add3A_423, %select_n3A_413 : vector<16xf32>
        %mul3A_425 = arith.constant 2.500000e-01 : f32
        %mul3A_426 = vector.broadcast %mul3A_425 : f32 to vector<16xf32>
        %mul3A_427 = arith.mulf %mul3A_426, %sub3A_424 : vector<16xf32>
        %le3A = arith.cmpf ole, %select_n3A_413, %mul3A_427 : vector<16xf32>
        %add3A_428 = vector.broadcast %mul3A_376 : i32 to vector<16xi32>
        %add3A_429 = arith.addi %iota3A, %add3A_428 : vector<16xi32>
        %ne3A_430 = arith.cmpi ne, %add3A_429, %select_n3A_245 : vector<16xi32>
        %and3A_431 = arith.andi %le3A, %ne3A_430 : vector<16xi1>
        %get3A_432 = arith.index_cast %mul3A_376 : i32 to index
        %get3A_433 = tpu.vector_load %arg6[%get3A_432] {strides = array<i32>} : memref<384xf32, #tpu.memory_space<vmem>>, vector<16xf32>,
        %broadcast_in_dim3A_434 = vector.broadcast %squeeze3A : f32 to vector<16xf32>
        %select_n3A_435 = arith.select %and3A_431, %get3A_433, %broadcast_in_dim3A_434 : vector<16xi1>, vector<16xf32>
        %swap3A_436 = arith.index_cast %mul3A_376 : i32 to index
        %swap3A_437 = tpu.vector_load %arg6[%swap3A_436] {strides = array<i32>} : memref<384xf32, #tpu.memory_space<vmem>>, vector<16xf32>,
        tpu.vector_store %arg6[%swap3A_436], %select_n3A_435 {strides = array<i32>} : memref<384xf32, #tpu.memory_space<vmem>>, vector<16xf32>,
        %ge3A = arith.cmpf oge, %select_n3A_435, %scan3A_373 : vector<16xf32>
        %select_n3A_438 = arith.select %ge3A, %select_n3A_435, %scan3A_373 : vector<16xi1>, vector<16xf32>
        %add3A_439 = vector.broadcast %mul3A_376 : i32 to vector<16xi32>
        %add3A_440 = arith.addi %iota3A, %add3A_439 : vector<16xi32>
        %select_n3A_441 = arith.select %ge3A, %add3A_440, %scan3A_374 : vector<16xi1>, vector<16xi32>
        scf.yield %select_n3A_438, %select_n3A_441 : vector<16xf32>, vector<16xi32>
      }
      %scan3A_286 = arith.constant 24 : i32
      %swap3A_287 = arith.constant 0 : index
      %swap3A_288 = tpu.vector_load %arg8[%swap3A_287] {strides = array<i32>} : memref<16xf32, #tpu.memory_space<vmem>>, vector<16xf32>,
      tpu.vector_store %arg8[%swap3A_287], %scan3A_285#0 {strides = array<i32>} : memref<16xf32, #tpu.memory_space<vmem>>, vector<16xf32>,
      %xor3A_289 = arith.constant 8 : i32
      %xor3A_290 = vector.broadcast %xor3A_289 : i32 to vector<16xi32>
      %xor3A_291 = arith.xori %iota3A, %xor3A_290 : vector<16xi32>
      %gather3A_292 = tpu.vector_load_idx %arg8[%xor3A_291] : memref<16xf32, #tpu.memory_space<vmem>>[vector<16xi32>], vector<16xf32>,
      %max3A_293 = arith.maximumf %scan3A_285#0, %gather3A_292 : vector<16xf32>
      %swap3A_294 = arith.constant 0 : index
      %swap3A_295 = tpu.vector_load %arg8[%swap3A_294] {strides = array<i32>} : memref<16xf32, #tpu.memory_space<vmem>>, vector<16xf32>,
      tpu.vector_store %arg8[%swap3A_294], %max3A_293 {strides = array<i32>} : memref<16xf32, #tpu.memory_space<vmem>>, vector<16xf32>,
      %xor3A_296 = arith.constant 4 : i32
      %xor3A_297 = vector.broadcast %xor3A_296 : i32 to vector<16xi32>
      %xor3A_298 = arith.xori %iota3A, %xor3A_297 : vector<16xi32>
      %gather3A_299 = tpu.vector_load_idx %arg8[%xor3A_298] : memref<16xf32, #tpu.memory_space<vmem>>[vector<16xi32>], vector<16xf32>,
      %max3A_300 = arith.maximumf %max3A_293, %gather3A_299 : vector<16xf32>
      %swap3A_301 = arith.constant 0 : index
      %swap3A_302 = tpu.vector_load %arg8[%swap3A_301] {strides = array<i32>} : memref<16xf32, #tpu.memory_space<vmem>>, vector<16xf32>,
      tpu.vector_store %arg8[%swap3A_301], %max3A_300 {strides = array<i32>} : memref<16xf32, #tpu.memory_space<vmem>>, vector<16xf32>,
      %xor3A_303 = arith.constant 2 : i32
      %xor3A_304 = vector.broadcast %xor3A_303 : i32 to vector<16xi32>
      %xor3A_305 = arith.xori %iota3A, %xor3A_304 : vector<16xi32>
      %gather3A_306 = tpu.vector_load_idx %arg8[%xor3A_305] : memref<16xf32, #tpu.memory_space<vmem>>[vector<16xi32>], vector<16xf32>,
      %max3A_307 = arith.maximumf %max3A_300, %gather3A_306 : vector<16xf32>
      %swap3A_308 = arith.constant 0 : index
      %swap3A_309 = tpu.vector_load %arg8[%swap3A_308] {strides = array<i32>} : memref<16xf32, #tpu.memory_space<vmem>>, vector<16xf32>,
      tpu.vector_store %arg8[%swap3A_308], %max3A_307 {strides = array<i32>} : memref<16xf32, #tpu.memory_space<vmem>>, vector<16xf32>,
      %xor3A_310 = arith.constant 1 : i32
      %xor3A_311 = vector.broadcast %xor3A_310 : i32 to vector<16xi32>
      %xor3A_312 = arith.xori %iota3A, %xor3A_311 : vector<16xi32>
      %gather3A_313 = tpu.vector_load_idx %arg8[%xor3A_312] : memref<16xf32, #tpu.memory_space<vmem>>[vector<16xi32>], vector<16xf32>,
      %max3A_314 = arith.maximumf %max3A_307, %gather3A_313 : vector<16xf32>
      %ne3A_315 = vector.broadcast %squeeze3A : f32 to vector<16xf32>
      %ne3A_316 = arith.cmpf one, %max3A_314, %ne3A_315 : vector<16xf32>
      %eq3A_317 = arith.cmpf oeq, %scan3A_285#0, %max3A_314 : vector<16xf32>
      %jit3A_318 = arith.constant -1 : i32
      %broadcast_in_dim3A_319 = vector.broadcast %jit3A_318 : i32 to vector<16xi32>
      %select_n3A_320 = arith.select %eq3A_317, %scan3A_285#1, %broadcast_in_dim3A_319 : vector<16xi1>, vector<16xi32>
      %swap3A_321 = arith.constant 0 : index
      %swap3A_322 = tpu.vector_load %arg9[%swap3A_321] {strides = array<i32>} : memref<16xi32, #tpu.memory_space<vmem>>, vector<16xi32>,
      tpu.vector_store %arg9[%swap3A_321], %select_n3A_320 {strides = array<i32>} : memref<16xi32, #tpu.memory_space<vmem>>, vector<16xi32>,
      %xor3A_323 = arith.constant 8 : i32
      %xor3A_324 = vector.broadcast %xor3A_323 : i32 to vector<16xi32>
      %xor3A_325 = arith.xori %iota3A, %xor3A_324 : vector<16xi32>
      %gather3A_326 = tpu.vector_load_idx %arg9[%xor3A_325] : memref<16xi32, #tpu.memory_space<vmem>>[vector<16xi32>], vector<16xi32>,
      %max3A_327 = arith.maxsi %select_n3A_320, %gather3A_326 : vector<16xi32>
      %swap3A_328 = arith.constant 0 : index
      %swap3A_329 = tpu.vector_load %arg9[%swap3A_328] {strides = array<i32>} : memref<16xi32, #tpu.memory_space<vmem>>, vector<16xi32>,
      tpu.vector_store %arg9[%swap3A_328], %max3A_327 {strides = array<i32>} : memref<16xi32, #tpu.memory_space<vmem>>, vector<16xi32>,
      %xor3A_330 = arith.constant 4 : i32
      %xor3A_331 = vector.broadcast %xor3A_330 : i32 to vector<16xi32>
      %xor3A_332 = arith.xori %iota3A, %xor3A_331 : vector<16xi32>
      %gather3A_333 = tpu.vector_load_idx %arg9[%xor3A_332] : memref<16xi32, #tpu.memory_space<vmem>>[vector<16xi32>], vector<16xi32>,
      %max3A_334 = arith.maxsi %max3A_327, %gather3A_333 : vector<16xi32>
      %swap3A_335 = arith.constant 0 : index
      %swap3A_336 = tpu.vector_load %arg9[%swap3A_335] {strides = array<i32>} : memref<16xi32, #tpu.memory_space<vmem>>, vector<16xi32>,
      tpu.vector_store %arg9[%swap3A_335], %max3A_334 {strides = array<i32>} : memref<16xi32, #tpu.memory_space<vmem>>, vector<16xi32>,
      %xor3A_337 = arith.constant 2 : i32
      %xor3A_338 = vector.broadcast %xor3A_337 : i32 to vector<16xi32>
      %xor3A_339 = arith.xori %iota3A, %xor3A_338 : vector<16xi32>
      %gather3A_340 = tpu.vector_load_idx %arg9[%xor3A_339] : memref<16xi32, #tpu.memory_space<vmem>>[vector<16xi32>], vector<16xi32>,
      %max3A_341 = arith.maxsi %max3A_334, %gather3A_340 : vector<16xi32>
      %swap3A_342 = arith.constant 0 : index
      %swap3A_343 = tpu.vector_load %arg9[%swap3A_342] {strides = array<i32>} : memref<16xi32, #tpu.memory_space<vmem>>, vector<16xi32>,
      tpu.vector_store %arg9[%swap3A_342], %max3A_341 {strides = array<i32>} : memref<16xi32, #tpu.memory_space<vmem>>, vector<16xi32>,
      %xor3A_344 = arith.constant 1 : i32
      %xor3A_345 = vector.broadcast %xor3A_344 : i32 to vector<16xi32>
      %xor3A_346 = arith.xori %iota3A, %xor3A_345 : vector<16xi32>
      %gather3A_347 = tpu.vector_load_idx %arg9[%xor3A_346] : memref<16xi32, #tpu.memory_space<vmem>>[vector<16xi32>], vector<16xi32>,
      %max3A_348 = arith.maxsi %max3A_341, %gather3A_347 : vector<16xi32>
      %select_n3A_349 = arith.select %ne3A_316, %max3A_348, %select_n3A_245 : vector<16xi1>, vector<16xi32>
      %select_n3A_350 = arith.select %ne3A_316, %max3A_314, %select_n3A_246 : vector<16xi1>, vector<16xf32>
      %eq3A_351 = arith.constant 2 : i32
      %eq3A_352 = vector.broadcast %eq3A_351 : i32 to vector<16xi32>
      %eq3A_353 = arith.cmpi eq, %iota3A, %eq3A_352 : vector<16xi32>
      %add3A_354 = vector.broadcast %select_n3A_63 : i32 to vector<16xi32>
      %add3A_355 = arith.addi %select_n3A_349, %add3A_354 : vector<16xi32>
      %select_n3A_356 = arith.select %eq3A_353, %add3A_355, %select_n3A_252 : vector<16xi1>, vector<16xi32>
      %eq3A_357 = arith.constant 2 : i32
      %eq3A_358 = vector.broadcast %eq3A_357 : i32 to vector<16xi32>
      %eq3A_359 = arith.cmpi eq, %iota3A, %eq3A_358 : vector<16xi32>
      %select_n3A_360 = arith.select %eq3A_359, %select_n3A_350, %select_n3A_256 : vector<16xi1>, vector<16xf32>
      %swap3A_361 = arith.constant 0 : i32
      %swap3A_362 = arith.index_cast %swap3A_361 : i32 to index
      %swap3A_363 = arith.constant 0 : index
      %swap3A_364 = tpu.vector_load %arg10[%swap3A_362, %swap3A_363] {strides = array<i32>} : memref<2x16xi32, #tpu.memory_space<vmem>>, vector<16xi32>,
      tpu.vector_store %arg10[%swap3A_362, %swap3A_363], %select_n3A_356 {strides = array<i32>} : memref<2x16xi32, #tpu.memory_space<vmem>>, vector<16xi32>,
      %bitcast_convert_type3A = tpu.bitcast %select_n3A_360 : vector<16xf32> -> vector<16xi32>
      %swap3A_365 = arith.constant 1 : i32
      %swap3A_366 = arith.index_cast %swap3A_365 : i32 to index
      %swap3A_367 = arith.constant 0 : index
      %swap3A_368 = tpu.vector_load %arg10[%swap3A_366, %swap3A_367] {strides = array<i32>} : memref<2x16xi32, #tpu.memory_space<vmem>>, vector<16xi32>,
      tpu.vector_store %arg10[%swap3A_366, %swap3A_367], %bitcast_convert_type3A {strides = array<i32>} : memref<2x16xi32, #tpu.memory_space<vmem>>, vector<16xi32>,
      %mul3A_369 = arith.constant 12 : i32
      %mul3A_370 = arith.muli %arg0, %mul3A_369 : i32
      %add3A_371 = arith.addi %mul3A_370, %arg1 : i32
      "tpu.region"() ({
        %run_scoped3A = tpu.sem_alloc : memref<!tpu.dma_semaphore, #tpu.memory_space<semaphore_mem>>
        %dma_start3A = arith.constant 0 : i32
        %dma_start3A_372 = arith.constant 0 : i32
        %dma_start3A_373 = tpu.memref_slice %arg5[%add3A_371, %dma_start3A, %dma_start3A_372] : memref<24x2x16xi32, #tpu.memory_space<hbm>> -> memref<1x2x16xi32, #tpu.memory_space<hbm>>
        %dma_start3A_374 = tpu.memref_squeeze %dma_start3A_373 : memref<1x2x16xi32, #tpu.memory_space<hbm>> -> memref<2x16xi32, #tpu.memory_space<hbm>>
        %dma_start3A_375 = arith.constant 0 : i32
        %dma_start3A_376 = arith.constant 0 : i32
        %dma_start3A_377 = tpu.memref_slice %arg5[%add3A_371, %dma_start3A_375, %dma_start3A_376] : memref<24x2x16xi32, #tpu.memory_space<hbm>> -> memref<1x2x16xi32, #tpu.memory_space<hbm>>
        %dma_start3A_378 = tpu.memref_squeeze %dma_start3A_377 : memref<1x2x16xi32, #tpu.memory_space<hbm>> -> memref<2x16xi32, #tpu.memory_space<hbm>>
        tpu.enqueue_dma source(%arg10 : memref<2x16xi32, #tpu.memory_space<vmem>>) target(%dma_start3A_378 : memref<2x16xi32, #tpu.memory_space<hbm>>) target_semaphore(%run_scoped3A : memref<!tpu.dma_semaphore, #tpu.memory_space<semaphore_mem>>)
        %dma_wait3A = arith.constant 0 : i32
        %dma_wait3A_379 = arith.constant 0 : i32
        %dma_wait3A_380 = tpu.memref_slice %arg5[%add3A_371, %dma_wait3A, %dma_wait3A_379] : memref<24x2x16xi32, #tpu.memory_space<hbm>> -> memref<1x2x16xi32, #tpu.memory_space<hbm>>
        %dma_wait3A_381 = tpu.memref_squeeze %dma_wait3A_380 : memref<1x2x16xi32, #tpu.memory_space<hbm>> -> memref<2x16xi32, #tpu.memory_space<hbm>>
        %dma_wait3A_382 = arith.constant 0 : i32
        %dma_wait3A_383 = arith.constant 0 : i32
        %dma_wait3A_384 = tpu.memref_slice %arg5[%add3A_371, %dma_wait3A_382, %dma_wait3A_383] : memref<24x2x16xi32, #tpu.memory_space<hbm>> -> memref<1x2x16xi32, #tpu.memory_space<hbm>>
        %dma_wait3A_385 = tpu.memref_squeeze %dma_wait3A_384 : memref<1x2x16xi32, #tpu.memory_space<hbm>> -> memref<2x16xi32, #tpu.memory_space<hbm>>
        tpu.wait_dma2 semaphore(%run_scoped3A : memref<!tpu.dma_semaphore, #tpu.memory_space<semaphore_mem>>) src(%arg10 : memref<2x16xi32, #tpu.memory_space<vmem>>) dst(%dma_wait3A_385 : memref<2x16xi32, #tpu.memory_space<hbm>>)
        tpu.yield
      }) : () -> ()
    } else {
    }
    return
  }
}

module attributes {stable_mosaic.version = 14 : i64} {
  func.func @_score_body(%arg0: memref<8x196x2048xf32, #tpu.memory_space<vmem>>, %arg1: memref<196x1152xf32, #tpu.memory_space<vmem>>, %arg2: memref<8x1152xf32, #tpu.memory_space<vmem>>) attributes {dimension_semantics = [], scalar_prefetch = 0 : i64, scratch_operands = 0 : i64, tpu.core_type = #tpu.core_type<tc>} {
    %get3A = arith.constant 0 : index
    %get3A_0 = arith.constant 0 : index
    %get3A_1 = arith.constant 0 : index
    %get3A_2 = vector.load %arg0[%get3A, %get3A_0, %get3A_1] : memref<8x196x2048xf32, #tpu.memory_space<vmem>>, vector<8x196x2048xf32>
    %reduce_sum3A = arith.constant dense<0.000000e+00> : vector<8x196xf32>
    %reduce_sum3A_3 = vector.multi_reduction <add>, %get3A_2, %reduce_sum3A [2] : vector<8x196x2048xf32> to vector<8x196xf32>
    %get3A_4 = arith.constant 0 : index
    %get3A_5 = arith.constant 0 : index
    %get3A_6 = vector.load %arg1[%get3A_4, %get3A_5] : memref<196x1152xf32, #tpu.memory_space<vmem>>, vector<196x1152xf32>
    %dot_general3A = arith.constant dense<0.000000e+00> : vector<8x1152xf32>
    %dot_general3A_7 = tpu.matmul %reduce_sum3A_3, %get3A_6, %dot_general3A {dimension_numbers = #tpu.dot_dimension_numbers<[1], [0], [0], [1], [0, 0, 1, 1], [], []>, precision = #tpu.contract_precision<fp32>, transpose_lhs_hint = false} : vector<8x196xf32>, vector<196x1152xf32>, vector<8x1152xf32> -> vector<8x1152xf32>
    %swap3A = arith.constant 0 : index
    %swap3A_8 = arith.constant 0 : index
    %swap3A_9 = vector.load %arg2[%swap3A, %swap3A_8] : memref<8x1152xf32, #tpu.memory_space<vmem>>, vector<8x1152xf32>
    tpu.vector_store %arg2[%swap3A, %swap3A_8], %dot_general3A_7 {strides = array<i32>} : memref<8x1152xf32, #tpu.memory_space<vmem>>, vector<8x1152xf32>,
    return
  }
}

</mosaic_0001>

<sc_bundles>
// kernel: kernel.4.cloned.1.call-start
scs
__scs_entry_jumppad:
0x0: {  	(pc) =	sbr.rel $0x88, $3  }
0x1: {  	(tag) =	ssettag $0x0;
	lr =	simm.s32 $0x1  }
0x2: {  	[smem:$0x3F9F] =	sst lr;
	_ =	strace $0xD0000000  }
0x3: {  	_ = 	snop  }
0x4: {  	_ = 	snop  }
0x5: {  	_ = 	snop  }
0x6: {  	_ = 	snop  }
0x7: {  	_ = 	snop  }
__scs_overlays_trampoline_lowered:
0x8: {  	[smem:$0x3FAE] =	sst s0  }
0x9: {  	[smem:$0x3FAF] =	sst s1  }
0xa: {  	[smem:$0x3FB0] =	sst s2  }
0xb: {  	[smem:$0x3FB1] =	sst s3  }
0xc: {  	[smem:$0x3FB2] =	sst s4  }
0xd: {  	[smem:$0x3FB3] =	sst s5  }
0xe: {  	[smem:$0x3FB4] =	sst s6  }
0xf: {  	[smem:$0x3FB5] =	sst s7  }
0x10: {  	[smem:$0x3FB6] =	sst s8  }
0x11: {  	[smem:$0x3FB7] =	sst s9;
	s0 =	simm.s32 @!p0 $0x0  }
0x12: {  	s1 =	sld [smem:$0x3F9D];
	s0 =	simm.s32 @p0 $0x1  }
0x13: {  	[smem:$0x3FB8] =	sst s0;
	s0 =	simm.s32 @!p1 $0x0  }
0x14: {  	s2 =	sld [smem:$0x3F9C];
	s0 =	simm.s32 @p1 $0x1  }
0x15: {  	[smem:$0x3FB9] =	sst s0;
	s0 =	simm.s32 @!p2 $0x0  }
0x16: {  	s3 =	sld [smem:$0x3FDB];
	s0 =	simm.s32 @p2 $0x1  }
0x17: {  	s4 =	simm.s32 $0x1BF5;
	[smem:$0x3FBB] =	sst s0  }
0x18: {  	s0 =	sld [smem:$0x3F9E];
	_ =	swait.ge [sflag:s4], $0x0  }
0x19: {  	s7 =	sld [smem:$0x3F9F]  }
0x1a: {  	s8 =	sadd.s32 $0xFFFFE003, lr  }
0x1b: {  	s9 =	sadd.s32 $0xFFFFFEF7, lr;
	s5 =	simm.s32 $0xFFFFFFFF;
	p2 =	slt.u32 s8, $0xFFFFF086  }
0x1c: {  	p1 =	slt.u32 s9, $0xF7A;
	s5 =	simm.s32 @!p2 $0x0  }
0x1d: {  	s5 =	simm.s32 @p1 $0x1;
	p0 =	seq.s32 s7, s2  }
0x1e: {  	s7 =	smul.u32 @!p0 $0xF7A, s2;
	p2 =	seq.s32 @!p0 s5, $0x0  }
0x1f: {  	s9 =	smul.u32 $0xF7A, s1;
	s8 =	simm.s32 @!p0 $0x1BF5;
	p2 =	por !p2, p0  }
0x20: {  	[sflag:s8] =	ssyncset.s32 @!p0 $0xFFFFF086;
	s6 =	sadd.s32 @!p0 s3, s7;
	s7 =	simm.s32 @!p0 $0x108  }
0x21: {  	s3 =	sadd.s32 s3, s9;
	s6 =	sadd.s32 @!p0 $0x88, s6;
	s7 =	simm.s32 @p2 $0x1082  }
0x22: {  	[simem:s7], [sflag:s8] =	dma.local @!p0 [hbm:s6], $0xF7A  }
0x23: {  	s9 =	sor.u32 $0xD0000000, s2;
	s6 =	simm.s32 $0x108;
	_ =	swait.ge @!p0 [sflag:s8], $0x0  }
0x24: {  	s3 =	sadd.s32 $0x88, s3;
	s6 =	simm.s32 @!p1 $0x1082;
	[sflag:s4] =	ssyncset.s32 $0xFFFFF086  }
0x25: {  	[simem:s6], [sflag:s4] =	dma.local [hbm:s3], $0xF7A  }
0x26: {  	[smem:$0x3F9F] =	sst s1;
	(tag) =	ssettag s2;
	_ =	strace s9  }
0x27: {  	s1 =	sld [smem:$0x3FAF]  }
0x28: {  	s2 =	sld [smem:$0x3FB0]  }
0x29: {  	s4 =	sld [smem:$0x3FB2]  }
0x2a: {  	p0 =	seq.s32 s5, $0x0;
	s5 =	sld [smem:$0x3FB3]  }
0x2b: {  	s6 =	sld [smem:$0x3FB4]  }
0x2c: {  	s7 =	sld [smem:$0x3FB5]  }
0x2d: {  	s3 =	simm.s32 $0x108;
	s8 =	sld [smem:$0x3FB6]  }
0x2e: {  	s3 =	simm.s32 @!p0 $0x1082;
	s9 =	sld [smem:$0x3FB7]  }
0x2f: {  	lr =	sadd.s32 s0, s3;
	s0 =	sld [smem:$0x3FAE]  }
0x30: {  	s3 =	sld [smem:$0x3FB1]  }
0x31: {  	[smem:$0x3FBA] =	sst s10  }
0x32: {  	s10 =	sld [smem:$0x3FB8];
	_ =	sdelay $0x3  }
0x33: {  	p0 =	seq.s32 s10, $0x1;
	s10 =	sld [smem:$0x3FBA];
	_ =	sdelay $0x3  }
0x34: {  	[smem:$0x3FBA] =	sst s10  }
0x35: {  	s10 =	sld [smem:$0x3FB9];
	_ =	sdelay $0x3  }
0x36: {  	p1 =	seq.s32 s10, $0x1;
	s10 =	sld [smem:$0x3FBA];
	_ =	sdelay $0x3  }
0x37: {  	[smem:$0x3FBA] =	sst s10  }
0x38: {  	s10 =	sld [smem:$0x3FBB]  }
0x39: {  	_ = 	snop;
	(pc) =	sbr.ind lr, $3  }
0x3a: {  	_ = 	snop  }
0x3b: {  	_ = 	snop  }
0x3c: {  	p2 =	seq.s32 s10, $0x1;
	s10 =	sld [smem:$0x3FBA]  }
0x3d: {  	_ =	shalt  }
0x3e: {  	_ =	shalt  }
0x3f: {  	_ =	shalt  }
0x40: {  	_ =	shalt  }
0x41: {  	_ =	shalt  }
0x42: {  	_ =	shalt  }
0x43: {  	_ =	shalt  }
0x44: {  	_ =	shalt  }
0x45: {  	_ =	shalt  }
0x46: {  	_ =	shalt  }
0x47: {  	_ =	shalt  }
0x48: {  	_ =	shalt  }
0x49: {  	_ =	shalt  }
0x4a: {  	_ =	shalt  }
0x4b: {  	_ =	shalt  }
0x4c: {  	_ =	shalt  }
0x4d: {  	_ =	shalt  }
0x4e: {  	_ =	shalt  }
0x4f: {  	_ =	shalt  }
0x50: {  	_ =	shalt  }
0x51: {  	_ =	shalt  }
0x52: {  	_ =	shalt  }
0x53: {  	_ =	shalt  }
0x54: {  	_ =	shalt  }
0x55: {  	_ =	shalt  }
0x56: {  	_ =	shalt  }
0x57: {  	_ =	shalt  }
0x58: {  	_ =	shalt  }
0x59: {  	_ =	shalt  }
0x5a: {  	_ =	shalt  }
0x5b: {  	_ =	shalt  }
0x5c: {  	_ =	shalt  }
0x5d: {  	_ =	shalt  }
0x5e: {  	_ =	shalt  }
0x5f: {  	_ =	shalt  }
0x60: {  	_ =	shalt  }
0x61: {  	_ =	shalt  }
0x62: {  	_ =	shalt  }
0x63: {  	_ =	shalt  }
0x64: {  	_ =	shalt  }
0x65: {  	_ =	shalt  }
0x66: {  	_ =	shalt  }
0x67: {  	_ =	shalt  }
0x68: {  	_ =	shalt  }
0x69: {  	_ =	shalt  }
0x6a: {  	_ =	shalt  }
0x6b: {  	_ =	shalt  }
0x6c: {  	_ =	shalt  }
0x6d: {  	_ =	shalt  }
0x6e: {  	_ =	shalt  }
0x6f: {  	_ =	shalt  }
0x70: {  	_ =	shalt  }
0x71: {  	_ =	shalt  }
0x72: {  	_ =	shalt  }
0x73: {  	_ =	shalt  }
0x74: {  	_ =	shalt  }
0x75: {  	_ =	shalt  }
0x76: {  	_ =	shalt  }
0x77: {  	_ =	shalt  }
0x78: {  	_ =	shalt  }
0x79: {  	_ =	shalt  }
0x7a: {  	_ =	shalt  }
0x7b: {  	_ =	shalt  }
0x7c: {  	_ =	shalt  }
0x7d: {  	_ =	shalt  }
0x7e: {  	_ =	shalt  }
0x7f: {  	_ =	shalt  }
0x80: {  	_ =	shalt  }
0x81: {  	_ =	shalt  }
0x82: {  	_ =	shalt  }
0x83: {  	_ =	shalt  }
0x84: {  	_ =	shalt  }
0x85: {  	_ =	shalt  }
0x86: {  	_ =	shalt  }
0x87: {  	_ =	shalt  }
.Lfunc_end0:
.L_simem_size_0:
called_computation_lowered:
.L_overlay_start_0:
0x88: {  	s2 =	sld [smem:$0x3FD9]  }
0x89: {  	s3 =	sld [smem:$0x3FFE];
	_ =	sdelay $0x1  }
0x8a: {  	s1 =	srdreg.scid  }
0x8b: {  	s0 =	sand.u32 $0x1, s1  }
0x8c: {  	s14 =	sshll.u32 s0, $0xA;
	s2 =	sadd.s32 s3, s2  }
0x8d: {  	s2 =	sadd.s32 s2, s14  }
0x8e: {  	[smem:$0x3FC6] =	sst s2  }
0x8f: {  	_ = 	snop  }
0x90: {  	s2 =	sld [smem:$0x3FD0];
	_ =	sdelay $0x2  }
0x91: {  	s15 =	simm.s32 $0xA;
	s4 =	simm.s32 $0x10  }
0x92: {  	[smem:s4], [sflag:s15] =	dma.local [hbm:s2], $0x1  }
0x93: {  	_ =	swait.eq [sflag:s15], $0x1  }
0x94: {  	[sflag:s15] =	ssyncset.done $0x0  }
0x95: {  	[sflag:s15] =	ssyncadd.s32 $0xFFFFFFFF  }
0x96: {  	s16 =	sld [smem:$0x11];
	(tm) =	ssettm $0x1  }
0x97: {  	s17 =	sld [smem:$0x3FFB];
	_ =	sdelay $0x3  }
0x98: {  	_ =	strace s17  }
0x99: {  	s3 =	sld [smem:$0x3FFC];
	_ =	sdelay $0x3  }
0x9a: {  	_ =	strace s3  }
0x9b: {  	s3 =	sld [smem:$0x3FFD];
	_ =	sdelay $0x3  }
0x9c: {  	_ =	strace s3  }
0x9d: {  	_ =	strace $0x8FFFFFFF  }
0x9e: {  	s18 =	sld [smem:$0x3FDB];
	_ =	sdelay $0x1  }
0x9f: {  	s19 =	simm.s32 $_scs_section_size  }
0xa0: {  	s5 =	simm.s32 $_size__tile_overlayer_lowered;
	s6 =	simm.s32 $_tile_overlayer_lowered  }
0xa1: {  	s22 =	simm.s32 $0x1BFF;
	s21 =	sshll.u32 s6, $0x1;
	s3 =	sadd.s32 s19, s18  }
0xa2: {  	s7 =	simm.s32 $0x0;
	s20 =	sshll.u32 s5, $0x1;
	s5 =	sadd.s32 s21, s3  }
0xa3: {  	[timem:s7], [sflag:s22] =	dma.local [hbm:s5], s20  }
0xa4: {  	_ =	swait.ge [sflag:s22], s20  }
0xa5: {  	s4 =	ssub.s32 $0x0, s20;
	[sflag:s22] =	ssyncset.done $0x0  }
0xa6: {  	[sflag:s22] =	ssyncadd.s32 s4;
	_ =	sdelay $0x1  }
0xa7: {  	s23 =	simm.s32 $0x1B8B  }
0xa8: {  	_ =	swait.ge [sflag:s23], $0x1  }
0xa9: {  	[sflag:s23] =	ssyncset.done $0x0  }
0xaa: {  	s25 =	simm.s32 $0x1B8E;
	s24 =	sld [smem:$0x3FFE];
	[sflag:s23] =	ssyncadd.s32 $0xFFFFFFFF  }
0xab: {  	s26 =	simm.s32 $execute0_lowered;
	[smem:$0x3FD2] =	sst s25  }
0xac: {  	s5 =	sshll.u32 s26, $0x1;
	_ =	strace $0x80000046;
	[dreg:$0x1] =	wrdreg $0xFFFFFFFF  }
0xad: {  	s28 =	simm.s32 $_size_execute0_lowered;
	s3 =	sadd.s32 s3, s5;
	[dreg:$0x0] =	wrdreg $0x0  }
0xae: {  	s5 =	sshll.u32 s28, $0x1;
	[dreg:$0x2] =	wrdreg s3  }
0xaf: {  	[dreg:$0x3] =	wrdreg s5  }
0xb0: {  	[dreg:$0x4] =	wrdreg $0xC0  }
0xb1: {  	_ =	task [dreg:s7], $0x5FFFF  }
0xb2: {  	[dreg:$0x1] =	wrdreg $0xFFFFFFFF  }
0xb3: {  	[dreg:$0x0] =	wrdreg $0x60  }
0xb4: {  	[dreg:$0x2] =	wrdreg s24  }
0xb5: {  	[dreg:$0x3] =	wrdreg s16  }
0xb6: {  	[dreg:$0x4] =	wrdreg $0x9  }
0xb7: {  	_ =	task.clear_ibuf [dreg:s7], $0x5FFFF;
	_ =	strace $0x90000046  }
0xb8: {  	s29 =	simm.s32 $0x9;
	_ =	strace $0x80000048  }
0xb9: {  	_ =	swait.ge [sflag:s29], $0x1  }
0xba: {  	[sflag:s29] =	ssyncadd.s32 $0xFFFFFFFF  }
0xbb: {  	_ =	strace $0x90000048  }
0xbc: {  	_ =	sfence  }
0xbd: {  	s30 =	sld [smem:$0x0];
	_ =	sdelay $0x2  }
0xbe: {  	s31 =	sshll.u32 s1, $0xD;
	s1 =	sshrl.u32 s1, $0x2  }
0xbf: {  	s3 =	sand.u32 $0x4000, s31;
	s1 =	sadd.s32 s1, s30  }
0xc0: {  	s0 =	sor.u32 s3, s0;
	s1 =	sshll.u32 s1, $0x11  }
0xc1: {  	s0 =	sor.u32 s1, s0  }
0xc2: {  	s0 =	sadd.s32 $0x8F2B, s0  }
0xc3: {  	[sflag:s0] =	ssyncadd.remote.s32 $0x1  }
0xc4: {  	_ =	sfence.sel $0xFFFF  }
0xc5: {  	[dreg:$0x0] =	wrdreg $0xFFFFFFFF;
	(pc) =	sbr.abs _section_cstart, $3  }
0xc6: {  	[dreg:$0x1] =	wrdreg $0xFFFFFFFF  }
0xc7: {  	_ =	task.clear_ibuf [dreg:s7], $0x2FFFF;
	_ =	strace $0x9FFFFFFF  }
0xc8: {  	(tm) =	ssettm $0x7FFFFFFF  }
0xc9: {  	_ =	shalt  }
tec
execute0_lowered:
.L_overlay_start_1:
0x0: {  	(tag) =	ssettag $0x1  }
0x1: {  	s0 =	stileid.u32;
	s1 =	srdreg.scid  }
0x2: {  	s6 =	rddreg [dreg:$0x0];
	s11 =	simm.s32 $0x169;
	s12 =	simm.s32 $0x200  }
0x3: {  	s13 =	simm.s32 $0x180;
	s14 =	simm.s32 $0x780;
	s15 =	simm.s32 $0x800  }
0x4: {  	s16 =	simm.s32 $0x880;
	s2 =	smul.u32 $0x56, s0;
	s4 =	sand.u32 $0x1, s1  }
0x5: {  	s17 =	simm.s32 $0x0;
	s24 =	sshll.u32 s4, $0x2;
	s28 =	smul.u32 $0xC, s4  }
0x6: {  	s4 =	ssub.s32 $0x2, s4;
	s23 =	sshrl.u32 s2, $0x8;
	s2 =	rddreg [dreg:$0x1]  }
0x7: {  	s30 =	sshrl.u32 s4, $0x1;
	s3 =	smul.u32 $0xFFFFFFFD, s23;
	s5 =	sadd.s32 s23, s24  }
0x8: {  	v0 =	vimm.s32 $0xFEDCBA98;
	s29 =	sadd.s32 s0, s28;
	s31 =	ssub.s32 s4, s30;
	s1 =	sshrl.u32 s5, $0x3  }
0x9: {  	v1 =	vimm.s32 $0x76543210;
	v3 =	vimm.s32 $0x32107654;
	s5 =	sshll.u32 s5, $0x7;
	s7 =	sadd.s32 s0, s3;
	s8 =	smul.u32 $0x2400, s1  }
0xa: {  	v4 =	vimm.s32 $0xDCFE98BA;
	v5 =	vimm.s32 $0x54761032;
	s1 =	rddreg [dreg:$0x2];
	s3 =	simm.s32 $0x0;
	s5 =	sand.u32 $0x380, s5  }
0xb: {  	v6 =	vimm.s32 $0xEFCDAB89;
	v7 =	vimm.s32 $0x67452301;
	v0 =	vunpack.c.l.s4.s8 v0;
	s9 =	smul.u32 $0xC00, s7;
	[smem:$0x7FF] =	sst s3;
	s10 =	sshrl.u32 s7, $0x1  }
0xc: {  	vm0 =	vmmov $0x1;
	vm1 =	vcmask $0x30C;
	v4 =	vunpack.c.l.s4.s8 v4;
	s26 =	sshll.u32 s7, $0x9;
	p0 =	seq.s32 s7, $0x1;
	p1 =	seq.s32 s7, $0x0  }
0xd: {  	v5 =	vunpack.c.l.s4.s8 v5;
	v2 =	vunpack.c.0.s8.s32 v0;
	v0 =	vimm.s32 $0xBA98FEDC;
	s7 =	smax.u32 s31, $0x1;
	s25 =	smul.u32 $0xC00, s10;
	_ =	strace $0x80000047  }
0xe: {  	v3 =	vunpack.c.l.s4.s8 v3;
	v6 =	vunpack.c.l.s4.s8 v6;
	v0 =	vunpack.c.l.s4.s8 v0;
	s10 =	simm.s32 $0xF1;
	s11 =	simm.s32 @!p0 $0x25A;
	s8 =	sadd.s32 s9, s8  }
0xf: {  	v7 =	vunpack.c.l.s4.s8 v7;
	v4 =	vunpack.c.0.s8.s32 v4;
	v5 =	vunpack.c.0.s8.s32 v5;
	s9 =	sshll.u32 s29, $0x5;
	s10 =	simm.s32 @!p0 $0x13B;
	s11 =	simm.s32 @p1 $0x0  }
0x10: {  	v1 =	vunpack.c.l.s4.s8 v1;
	v3 =	vunpack.c.0.s8.s32 v3;
	v0 =	vunpack.c.0.s8.s32 v0;
	p0 =	sgt.u32 s0, $0xB;
	s5 =	sor.u32 s5, s8;
	s8 =	sand.u32 $0x200, s26  }
.Ltmp0:
0x11: {  	v6 =	vunpack.c.0.s8.s32 v6;
	v7 =	vunpack.c.0.s8.s32 v7;
	v5 =	vcombine.low v5, v4;
	s10 =	simm.s32 @p1 $0x169;
	s8 =	sor.u32 s8, s25;
	(pc) =	sbr.rel .LBB2_1-.Ltmp0, $4  }
0x12: {  	v8 =	vcombine.low v3, v0;
	v3 =	vunpack.c.0.s8.s32 v1;
	v1 =	vmov s11;
	s11 =	simm.s32 $0x400;
	s5 =	sshrl.u32 s5, $0x3;
	s8 =	sshrl.u32 s8, $0x3  }
0x13: {  	vm2 =	vcmask $0x70C;
	v6 =	vcombine.low v7, v6;
	v0 =	vmov s10;
	s10 =	simm.s32 $0x80;
	s5 =	sadd.s32 s5, s6;
	s8 =	sadd.s32 s8, s6  }
0x14: {  	v9 =	vand.u32 $0xF, v2;
	v2 =	vlaneseq.u32;
	v5 =	vand.u32 $0xF, v5;
	s6 =	sadd.s32 s9, s6;
	s4 =	sadd.s32 $0x400, s5;
	s9 =	simm.s32 $0x1  }
0x15: {  	v6 =	vand.u32 $0xF, v6;
	v3 =	vcombine.low v9, v3;
	v4 =	vand.u32 $0xF, v8;
	s5 =	sadd.s32 $0xA00, s8;
	s6 =	sadd.s32 $0xE00, s6;
	s8 =	simm.s32 $0x980  }
.LBB2_8:
0x16: {  	v20 =	vld [tilespmem:s21+$0x280]  }
0x17: {  	v21 =	vld [tilespmem:s21+$0x200]  }
0x18: {  	v22 =	vld [tilespmem:s21+$0x300];
	_ =	sdelay $0x3  }
0x19: {  	v16 =	vmax.f32 v19, v16;
	v18 =	vmin.f32 v20, v18;
	v46 =	vsub.f32 v20, v19  }
0x1a: {  	v17 =	vmin.f32 v22, v17;
	v15 =	vmax.f32 v21, v15;
	v47 =	vsub.f32 v22, v21  }
0x1b: {  	v16 =	vsub.f32 v18, v16;
	v15 =	vsub.f32 v17, v15  }
0x1c: {  	v48 =	vadd.f32 $1.000000000e+00, v46;
	v49 =	vadd.f32 $1.000000000e+00, v47  }
0x1d: {  	v16 =	vadd.f32 $1.000000000e+00, v16;
	v15 =	vadd.f32 $1.000000000e+00, v15  }
0x1e: {  	v17 =	vmul.f32 v49, v48  }
0x1f: {  	vm5 =	vlt.f32 v16, $0.0e+00;
	vm6 =	vlt.f32 v15, $0.0e+00;
	v15 =	vmul.f32 v15, v16  }
0x20: {  	vm5 =	vmor vm5, vm6;
	v14 =	vadd.f32 v17, v14  }
0x21: {  	v15 =	vsel vm5, $0x0, v15  }
0x22: {  	s18 =	sshra.s32 s18, $0x2;
	v14 =	vsub.f32 v14, v15  }
0x23: {  	v50 =	vld [tilespmem:s18+$0x0]  }
0x24: {  	v14 =	vmul.f32 $2.500000000e-01, v14  }
0x25: {  	v51 =	vor.u32 s19, v2  }
0x26: {  	vm12 =	vne.s32 v51, v11;
	vm5 =	vle.f32 v15, v14  }
0x27: {  	vm5 =	vmand vm12, vm5  }
0x28: {  	v52 =	vsel vm5, v50, v7  }
0x29: {  	vm5 =	vge.f32 v52, v13  }
0x2a: {  	[tilespmem:s18+$0x0] =	vst v52;
	v13 =	vsel vm5, v52, v13  }
0x2b: {  	[tilespmem:$0x780] =	vst v13  }
0x2c: {  	v53 =	vld.idx.msk [tilespmem:v3+s14+$0x0], $0xffff;
	_ =	sdelay $0x4  }
0x2d: {  	v14 =	vmax.f32 v13, v53  }
0x2e: {  	[tilespmem:$0x780] =	vst v14  }
0x2f: {  	v54 =	vld.idx.msk [tilespmem:v4+s14+$0x0], $0xffff;
	_ =	sdelay $0x4  }
0x30: {  	v14 =	vmax.f32 v14, v54  }
0x31: {  	[tilespmem:$0x780] =	vst v14  }
0x32: {  	v55 =	vld.idx.msk [tilespmem:v5+s14+$0x0], $0xffff;
	_ =	sdelay $0x4  }
0x33: {  	v14 =	vmax.f32 v14, v55  }
0x34: {  	[tilespmem:$0x780] =	vst v14  }
0x35: {  	v56 =	vld.idx.msk [tilespmem:v6+s14+$0x0], $0xffff;
	_ =	sdelay $0x4  }
0x36: {  	v14 =	vmax.f32 v14, v56  }
0x37: {  	v12 =	vsel vm5, v51, v12;
	vm13 =	veq.f32 v13, v14  }
0x38: {  	v12 =	vnsel vm13, $0xFFFFFFFF, v12  }
0x39: {  	[tilespmem:$0x800] =	vst v12  }
0x3a: {  	v57 =	vld.idx.msk [tilespmem:v3+s15+$0x0], $0xffff;
	_ =	sdelay $0x4  }
0x3b: {  	vm5 =	vgt.s32 v12, v57  }
0x3c: {  	v12 =	vsel vm5, v12, v57  }
0x3d: {  	[tilespmem:$0x800] =	vst v12  }
0x3e: {  	v58 =	vld.idx.msk [tilespmem:v4+s15+$0x0], $0xffff;
	_ =	sdelay $0x4  }
0x3f: {  	vm5 =	vgt.s32 v12, v58  }
0x40: {  	v12 =	vsel vm5, v12, v58  }
0x41: {  	[tilespmem:$0x800] =	vst v12  }
0x42: {  	v59 =	vld.idx.msk [tilespmem:v5+s15+$0x0], $0xffff;
	_ =	sdelay $0x4  }
0x43: {  	vm5 =	vgt.s32 v12, v59  }
0x44: {  	v12 =	vsel vm5, v12, v59  }
0x45: {  	[tilespmem:$0x800] =	vst v12  }
0x46: {  	v60 =	vld.idx.msk [tilespmem:v6+s15+$0x0], $0xffff;
	_ =	sdelay $0x2  }
0x47: {  	v8 =	vnsel vm3, $0x0, v8;
	v9 =	vadd.s32 v1, v9  }
0x48: {  	v63 =	vadd.s32 v1, v11;
	v62 =	vnsel vm0, $0x0, v8;
	v8 =	vsel vm4, v10, v8  }
0x49: {  	vm3 =	vlt.f32 v14, v7;
	vm14 =	vgt.f32 v14, v7;
	vm15 =	vgt.s32 v12, v60  }
0x4a: {  	v10 =	vsel vm1, v62, v8;
	vm3 =	vmor vm14, vm3;
	v61 =	vsel vm15, v12, v60  }
0x4b: {  	v7 =	vnsel vm0, $0x0, v9;
	v8 =	vsel vm3, v14, v8;
	v9 =	vsel vm3, v61, v11  }
0x4c: {  	v7 =	vsel vm1, v7, v63;
	v8 =	vsel vm2, v10, v8;
	v9 =	vadd.s32 v1, v9  }
0x4d: {  	[tilespmem:$0x900] =	vst v8;
	v7 =	vsel vm2, v7, v9  }
0x4e: {  	[tilespmem:$0x880] =	vst v7  }
0x4f: {  	[hbm4b:s6+s3] =	stream.linear.scatter [tilespmem:s16], [sflag:$0x1], $0x100, $0x38;
	[tilespmem:$0xA00] =	vst v63  }
0x50: {  	_ =	swait.ge [sflag:s9], $0x100  }
0x51: {  	[sflag:s9] =	ssyncset.done $0x0  }
0x52: {  	[sflag:s9] =	ssyncadd.s32 $0xFFFFFF00  }
.LBB2_9:
0x53: {  	s17 =	sadd.s32 $0x1, s17  }
0x54: {  	p1 =	sne.s32 s17, s7  }
.Ltmp1:
0x55: {  	_ = 	snop;
	(pc) =	sbr.rel @!p1 .LBB2_10-.Ltmp1, $1  }
0x56: {  	_ =	sdelay $0x3  }
.LBB2_1:
.Ltmp2:
0x57: {  	(pc) =	sbr.rel @p0 .LBB2_9-.Ltmp2, $4  }
0x58: {  	[tilespmem:s8], [sflag:$0x1] =	stream.linear.gather [hbm4b:s2+s3], $0x1, $0x38;
	[tilespmem:$0xA00] =	vst v63  }
0x59: {  	_ =	swait.ge [sflag:s9], $0x1  }
0x5a: {  	[sflag:s9] =	ssyncset.done $0x0  }
0x5b: {  	[sflag:s9] =	ssyncadd.s32 $0xFFFFFFFF  }
0x5c: {  	s20 =	simm.s32 $0x0  }
0x5d: {  	v7 =	vld.msk [tilespmem:$0x980 ss:$0x0], $0xffff;
	[tilespmem:s20], [sflag:$0x1] =	stream.strided.gather [hbm4b:s4+s10], $0x180, s11, s10, $0x38  }
0x5e: {  	_ =	swait.ge [sflag:s9], $0x180  }
0x5f: {  	[sflag:s9] =	ssyncset.done $0x0  }
0x60: {  	[sflag:s9] =	ssyncadd.s32 $0xFFFFFE80  }
0x61: {  	[tilespmem:s13], [sflag:$0x1] =	stream.strided.gather [hbm4b:s5+s12], $0x600, s11, s12, $0x38;
	[tilespmem:$0xA00] =	vst v63  }
0x62: {  	_ =	swait.ge [sflag:s9], $0x600  }
0x63: {  	[sflag:s9] =	ssyncset.done $0x0  }
0x64: {  	[sflag:s9] =	ssyncadd.s32 $0xFFFFFA00  }
0x65: {  	v8 =	vld [tilespmem:s20+$0x0];
	_ =	sdelay $0x2  }
0x66: {  	v9 =	vor.u32 s20, v2  }
0x67: {  	vm3 =	vlt.u32 v9, v0  }
0x68: {  	v11 =	vsel vm3, v8, v7  }
0x69: {  	s18 =	simm.s32 $0x10;
	s19 =	simm.s32 $0x20;
	v10 =	vmov v7;
	v8 =	vimm.s32 $0x0;
	[tilespmem:s20+$0x0] =	vst v11;
	vm3 =	vge.f32 v11, v7;
	s20 =	simm.s32 $0x10  }
.LBB2_3:
0x6a: {  	p1 =	sne.s32 s19, $0x170;
	v12 =	vld [tilespmem:s18+$0x0];
	v10 =	vsel vm3, v11, v10;
	v8 =	vsel vm3, v9, v8;
	_ =	sdelay $0x1  }
.Ltmp3:
0x6b: {  	(pc) =	sbr.rel @p1 .LBB2_3-.Ltmp3, $4  }
0x6c: {  	v9 =	vor.u32 s20, v2;
	s20 =	smov.u32 s19  }
0x6d: {  	vm3 =	vlt.u32 v9, v0  }
0x6e: {  	v11 =	vsel vm3, v12, v7  }
0x6f: {  	s19 =	sadd.s32 $0x10, s19;
	[tilespmem:s18+$0x0] =	vst v11;
	vm3 =	vge.f32 v11, v10;
	s18 =	sadd.s32 $0x10, s18  }
0x70: {  	v12 =	vld [tilespmem:s18+$0x0];
	_ =	sdelay $0x2  }
0x71: {  	v13 =	vor.u32 s20, v2  }
0x72: {  	vm4 =	vlt.u32 v13, v0  }
0x73: {  	v10 =	vsel vm3, v11, v10;
	v11 =	vsel vm4, v12, v7  }
0x74: {  	vm4 =	vge.f32 v11, v10  }
0x75: {  	[tilespmem:s18+$0x0] =	vst v11;
	v10 =	vsel vm4, v11, v10  }
0x76: {  	[tilespmem:$0x780] =	vst v10  }
0x77: {  	v11 =	vld.idx.msk [tilespmem:v3+s14+$0x0], $0xffff;
	_ =	sdelay $0x4  }
0x78: {  	v11 =	vmax.f32 v10, v11  }
0x79: {  	[tilespmem:$0x780] =	vst v11  }
0x7a: {  	v12 =	vld.idx.msk [tilespmem:v4+s14+$0x0], $0xffff;
	_ =	sdelay $0x4  }
0x7b: {  	v11 =	vmax.f32 v11, v12  }
0x7c: {  	[tilespmem:$0x780] =	vst v11  }
0x7d: {  	v12 =	vld.idx.msk [tilespmem:v5+s14+$0x0], $0xffff;
	_ =	sdelay $0x4  }
0x7e: {  	v11 =	vmax.f32 v11, v12  }
0x7f: {  	[tilespmem:$0x780] =	vst v11  }
0x80: {  	v12 =	vld.idx.msk [tilespmem:v6+s14+$0x0], $0xffff;
	_ =	sdelay $0x4  }
0x81: {  	v9 =	vsel vm3, v9, v8;
	v8 =	vmax.f32 v11, v12  }
0x82: {  	v9 =	vsel vm4, v13, v9;
	vm3 =	veq.f32 v10, v8  }
0x83: {  	v9 =	vnsel vm3, $0xFFFFFFFF, v9  }
0x84: {  	[tilespmem:$0x800] =	vst v9  }
0x85: {  	v10 =	vld.idx.msk [tilespmem:v3+s15+$0x0], $0xffff;
	_ =	sdelay $0x4  }
0x86: {  	vm3 =	vgt.s32 v9, v10  }
0x87: {  	v9 =	vsel vm3, v9, v10  }
0x88: {  	[tilespmem:$0x800] =	vst v9  }
0x89: {  	v10 =	vld.idx.msk [tilespmem:v4+s15+$0x0], $0xffff;
	_ =	sdelay $0x4  }
0x8a: {  	vm3 =	vgt.s32 v9, v10  }
0x8b: {  	v9 =	vsel vm3, v9, v10  }
0x8c: {  	[tilespmem:$0x800] =	vst v9  }
0x8d: {  	v10 =	vld.idx.msk [tilespmem:v5+s15+$0x0], $0xffff;
	_ =	sdelay $0x4  }
0x8e: {  	vm3 =	vgt.s32 v9, v10  }
0x8f: {  	v9 =	vsel vm3, v9, v10  }
0x90: {  	[tilespmem:$0x800] =	vst v9  }
0x91: {  	v10 =	vld.idx.msk [tilespmem:v6+s15+$0x0], $0xffff;
	_ =	sdelay $0x4  }
0x92: {  	vm4 =	vgt.f32 v8, v7;
	vm3 =	vlt.f32 v8, v7;
	vm5 =	vgt.s32 v9, v10  }
0x93: {  	vm3 =	vmor vm4, vm3;
	v9 =	vsel vm5, v9, v10  }
0x94: {  	v9 =	vnsel vm3, $0x0, v9  }
0x95: {  	v10 =	vshll.u32 v9, $0x2  }
0x96: {  	v11 =	vand.u32 $0x7F, v9;
	v10 =	vand.u32 $0xFFFFFE00, v10  }
0x97: {  	v10 =	vor.u32 v11, v10  }
0x98: {  	v12 =	vor.u32 $0x100, v10  }
0x99: {  	v11 =	vor.u32 $0x80, v10  }
0x9a: {  	v15 =	vor.u32 $0x180, v10;
	_ =	sdelay $0x1  }
0x9b: {  	v14 =	vld.idx.msk [tilespmem:v10+s13+$0x0], $0xffff  }
0x9c: {  	v16 =	vld.idx.msk [tilespmem:v12+s13+$0x0], $0xffff  }
0x9d: {  	v13 =	vld.idx.msk [tilespmem:v11+s13+$0x0], $0xffff  }
0x9e: {  	v15 =	vld.idx.msk [tilespmem:v15+s13+$0x0], $0xffff;
	_ =	sdelay $0x2  }
0x9f: {  	v10 =	vsub.f32 v16, v14;
	_ =	sdelay $0x1  }
0xa0: {  	v11 =	vsub.f32 v15, v13;
	v10 =	vadd.f32 $1.000000000e+00, v10  }
0xa1: {  	s18 =	simm.s32 $0x0  }
0xa2: {  	s19 =	sand.u32 $0x70, s18;
	s31 =	sand.u32 $0x600, s18;
	v12 =	vadd.f32 $1.000000000e+00, v11  }
0xa3: {  	s21 =	sor.u32 s19, s31  }
0xa4: {  	s20 =	simm.s32 $0x10;
	s19 =	simm.s32 $0x0;
	v17 =	vld [tilespmem:s21+$0x180];
	v11 =	vimm.s32 $0x0;
	v12 =	vmul.f32 v12, v10;
	v10 =	vmov v7  }
.LBB2_5:
0xa5: {  	p1 =	sne.s32 s20, $0x170;
	v18 =	vld [tilespmem:s21+$0x280]  }
0xa6: {  	v19 =	vld [tilespmem:s21+$0x200]  }
0xa7: {  	v20 =	vld [tilespmem:s21+$0x300];
	_ =	sdelay $0x3  }
0xa8: {  	v22 =	vmax.f32 v17, v14;
	v21 =	vmin.f32 v18, v16;
	v17 =	vsub.f32 v18, v17  }
0xa9: {  	v23 =	vmax.f32 v19, v13;
	v18 =	vmin.f32 v20, v15;
	v19 =	vsub.f32 v20, v19  }
0xaa: {  	v20 =	vsub.f32 v21, v22;
	v18 =	vsub.f32 v18, v23  }
0xab: {  	v17 =	vadd.f32 $1.000000000e+00, v17;
	v19 =	vadd.f32 $1.000000000e+00, v19  }
0xac: {  	v20 =	vadd.f32 $1.000000000e+00, v20;
	v18 =	vadd.f32 $1.000000000e+00, v18  }
0xad: {  	v17 =	vmul.f32 v19, v17  }
0xae: {  	vm4 =	vlt.f32 v20, $0.0e+00;
	vm5 =	vlt.f32 v18, $0.0e+00;
	v18 =	vmul.f32 v18, v20  }
0xaf: {  	vm4 =	vmor vm4, vm5;
	v17 =	vadd.f32 v17, v12  }
0xb0: {  	v18 =	vsel vm4, $0x0, v18  }
0xb1: {  	s22 =	sshra.s32 s18, $0x2;
	v17 =	vsub.f32 v17, v18  }
0xb2: {  	v19 =	vld [tilespmem:s22+$0x0]  }
0xb3: {  	v17 =	vmul.f32 $2.500000000e-01, v17  }
0xb4: {  	v20 =	vor.u32 s19, v2;
	s19 =	smov.u32 s20  }
.Ltmp4:
0xb5: {  	vm5 =	vne.s32 v20, v9;
	vm4 =	vle.f32 v18, v17;
	(pc) =	sbr.rel @p1 .LBB2_5-.Ltmp4, $4  }
0xb6: {  	s18 =	sadd.s32 $0x40, s18;
	vm4 =	vmand vm5, vm4  }
0xb7: {  	s23 =	sand.u32 $0x600, s18;
	s21 =	sand.u32 $0x70, s20;
	v18 =	vsel vm4, v19, v7  }
0xb8: {  	s21 =	sor.u32 s21, s23;
	[tilespmem:s22+$0x0] =	vst v18;
	vm4 =	vge.f32 v18, v10  }
0xb9: {  	s20 =	sadd.s32 $0x10, s20;
	v17 =	vld [tilespmem:s21+$0x180];
	v10 =	vsel vm4, v18, v10;
	v11 =	vsel vm4, v20, v11  }
0xba: {  	v18 =	vld [tilespmem:s21+$0x280]  }
0xbb: {  	v19 =	vld [tilespmem:s21+$0x200]  }
0xbc: {  	v20 =	vld [tilespmem:s21+$0x300];
	_ =	sdelay $0x3  }
0xbd: {  	v14 =	vmax.f32 v17, v14;
	v16 =	vmin.f32 v18, v16;
	v17 =	vsub.f32 v18, v17  }
0xbe: {  	v15 =	vmin.f32 v20, v15;
	v13 =	vmax.f32 v19, v13;
	v18 =	vsub.f32 v20, v19  }
0xbf: {  	v14 =	vsub.f32 v16, v14;
	v13 =	vsub.f32 v15, v13  }
0xc0: {  	v15 =	vadd.f32 $1.000000000e+00, v17;
	v16 =	vadd.f32 $1.000000000e+00, v18  }
0xc1: {  	v14 =	vadd.f32 $1.000000000e+00, v14;
	v13 =	vadd.f32 $1.000000000e+00, v13  }
0xc2: {  	v15 =	vmul.f32 v16, v15  }
0xc3: {  	vm4 =	vlt.f32 v14, $0.0e+00;
	vm5 =	vlt.f32 v13, $0.0e+00;
	v13 =	vmul.f32 v13, v14  }
0xc4: {  	vm4 =	vmor vm4, vm5;
	v12 =	vadd.f32 v15, v12  }
0xc5: {  	v13 =	vsel vm4, $0x0, v13  }
0xc6: {  	s18 =	sshra.s32 s18, $0x2;
	v12 =	vsub.f32 v12, v13  }
0xc7: {  	v14 =	vld [tilespmem:s18+$0x0]  }
0xc8: {  	v12 =	vmul.f32 $2.500000000e-01, v12  }
0xc9: {  	v15 =	vor.u32 s19, v2  }
0xca: {  	vm5 =	vne.s32 v15, v9;
	vm4 =	vle.f32 v13, v12  }
0xcb: {  	vm4 =	vmand vm5, vm4  }
0xcc: {  	v12 =	vsel vm4, v14, v7  }
0xcd: {  	vm4 =	vge.f32 v12, v10  }
0xce: {  	[tilespmem:s18+$0x0] =	vst v12;
	v12 =	vsel vm4, v12, v10  }
0xcf: {  	[tilespmem:$0x780] =	vst v12  }
0xd0: {  	v10 =	vld.idx.msk [tilespmem:v3+s14+$0x0], $0xffff;
	_ =	sdelay $0x4  }
0xd1: {  	v10 =	vmax.f32 v12, v10  }
0xd2: {  	[tilespmem:$0x780] =	vst v10  }
0xd3: {  	v13 =	vld.idx.msk [tilespmem:v4+s14+$0x0], $0xffff;
	_ =	sdelay $0x4  }
0xd4: {  	v10 =	vmax.f32 v10, v13  }
0xd5: {  	[tilespmem:$0x780] =	vst v10  }
0xd6: {  	v13 =	vld.idx.msk [tilespmem:v5+s14+$0x0], $0xffff;
	_ =	sdelay $0x4  }
0xd7: {  	v10 =	vmax.f32 v10, v13  }
0xd8: {  	[tilespmem:$0x780] =	vst v10  }
0xd9: {  	v13 =	vld.idx.msk [tilespmem:v6+s14+$0x0], $0xffff;
	_ =	sdelay $0x4  }
0xda: {  	v10 =	vmax.f32 v10, v13  }
0xdb: {  	v11 =	vsel vm4, v15, v11;
	vm4 =	veq.f32 v12, v10  }
0xdc: {  	v11 =	vnsel vm4, $0xFFFFFFFF, v11  }
0xdd: {  	[tilespmem:$0x800] =	vst v11  }
0xde: {  	v12 =	vld.idx.msk [tilespmem:v3+s15+$0x0], $0xffff;
	_ =	sdelay $0x4  }
0xdf: {  	vm4 =	vgt.s32 v11, v12  }
0xe0: {  	v11 =	vsel vm4, v11, v12  }
0xe1: {  	[tilespmem:$0x800] =	vst v11  }
0xe2: {  	v12 =	vld.idx.msk [tilespmem:v4+s15+$0x0], $0xffff;
	_ =	sdelay $0x4  }
0xe3: {  	vm4 =	vgt.s32 v11, v12  }
0xe4: {  	v11 =	vsel vm4, v11, v12  }
0xe5: {  	[tilespmem:$0x800] =	vst v11  }
0xe6: {  	v12 =	vld.idx.msk [tilespmem:v5+s15+$0x0], $0xffff;
	_ =	sdelay $0x4  }
0xe7: {  	vm4 =	vgt.s32 v11, v12  }
0xe8: {  	v11 =	vsel vm4, v11, v12  }
0xe9: {  	[tilespmem:$0x800] =	vst v11  }
0xea: {  	v12 =	vld.idx.msk [tilespmem:v6+s15+$0x0], $0xffff;
	_ =	sdelay $0x4  }
0xeb: {  	vm5 =	vgt.f32 v10, v7;
	vm4 =	vlt.f32 v10, v7;
	vm6 =	vgt.s32 v11, v12  }
0xec: {  	vm4 =	vmor vm5, vm4;
	v11 =	vsel vm6, v11, v12  }
0xed: {  	v11 =	vsel vm4, v11, v9  }
0xee: {  	v12 =	vshll.u32 v11, $0x2  }
0xef: {  	v13 =	vand.u32 $0x7F, v11;
	v12 =	vand.u32 $0xFFFFFE00, v12  }
0xf0: {  	v12 =	vor.u32 v13, v12  }
0xf1: {  	v13 =	vor.u32 $0x80, v12  }
0xf2: {  	v17 =	vor.u32 $0x180, v12;
	_ =	sdelay $0x1  }
0xf3: {  	v14 =	vor.u32 $0x100, v12;
	_ =	sdelay $0x1  }
0xf4: {  	v15 =	vld.idx.msk [tilespmem:v13+s13+$0x0], $0xffff  }
0xf5: {  	v17 =	vld.idx.msk [tilespmem:v17+s13+$0x0], $0xffff  }
0xf6: {  	v16 =	vld.idx.msk [tilespmem:v12+s13+$0x0], $0xffff  }
0xf7: {  	v18 =	vld.idx.msk [tilespmem:v14+s13+$0x0], $0xffff;
	_ =	sdelay $0x2  }
0xf8: {  	v13 =	vsub.f32 v17, v15;
	_ =	sdelay $0x1  }
0xf9: {  	v12 =	vsub.f32 v18, v16;
	v13 =	vadd.f32 $1.000000000e+00, v13  }
0xfa: {  	s18 =	simm.s32 $0x0  }
0xfb: {  	s31 =	sand.u32 $0x70, s18;
	s20 =	sand.u32 $0x600, s18;
	v12 =	vadd.f32 $1.000000000e+00, v12  }
0xfc: {  	s21 =	sor.u32 s31, s20  }
0xfd: {  	s19 =	simm.s32 $0x0;
	s20 =	simm.s32 $0x10;
	v19 =	vld [tilespmem:s21+$0x180];
	v14 =	vmul.f32 v13, v12;
	v12 =	vimm.s32 $0x0;
	v13 =	vmov v7  }
.LBB2_7:
0xfe: {  	p1 =	sne.s32 s20, $0x170;
	v20 =	vld [tilespmem:s21+$0x280]  }
0xff: {  	v21 =	vld [tilespmem:s21+$0x200]  }
0x100: {  	v22 =	vld [tilespmem:s21+$0x300];
	_ =	sdelay $0x3  }
0x101: {  	v24 =	vmax.f32 v19, v16;
	v23 =	vmin.f32 v20, v18;
	v19 =	vsub.f32 v20, v19  }
0x102: {  	v25 =	vmax.f32 v21, v15;
	v20 =	vmin.f32 v22, v17;
	v21 =	vsub.f32 v22, v21  }
0x103: {  	v22 =	vsub.f32 v23, v24;
	v20 =	vsub.f32 v20, v25  }
0x104: {  	v19 =	vadd.f32 $1.000000000e+00, v19;
	v21 =	vadd.f32 $1.000000000e+00, v21  }
0x105: {  	v22 =	vadd.f32 $1.000000000e+00, v22;
	v20 =	vadd.f32 $1.000000000e+00, v20  }
0x106: {  	v19 =	vmul.f32 v21, v19  }
0x107: {  	vm5 =	vlt.f32 v22, $0.0e+00;
	vm6 =	vlt.f32 v20, $0.0e+00;
	v20 =	vmul.f32 v20, v22  }
0x108: {  	vm5 =	vmor vm5, vm6;
	v19 =	vadd.f32 v19, v14  }
0x109: {  	v20 =	vsel vm5, $0x0, v20  }
0x10a: {  	s22 =	sshra.s32 s18, $0x2;
	v19 =	vsub.f32 v19, v20  }
0x10b: {  	v21 =	vld [tilespmem:s22+$0x0]  }
0x10c: {  	v19 =	vmul.f32 $2.500000000e-01, v19  }
0x10d: {  	v22 =	vor.u32 s19, v2;
	s19 =	smov.u32 s20  }
.Ltmp5:
0x10e: {  	vm6 =	vne.s32 v22, v11;
	vm5 =	vle.f32 v20, v19;
	(pc) =	sbr.rel @p1 .LBB2_7-.Ltmp5, $4  }
0x10f: {  	s18 =	sadd.s32 $0x40, s18;
	vm5 =	vmand vm6, vm5  }
0x110: {  	s23 =	sand.u32 $0x600, s18;
	s21 =	sand.u32 $0x70, s20;
	v20 =	vsel vm5, v21, v7  }
0x111: {  	s21 =	sor.u32 s21, s23;
	[tilespmem:s22+$0x0] =	vst v20;
	vm5 =	vge.f32 v20, v13  }
0x112: {  	s20 =	sadd.s32 $0x10, s20;
	v19 =	vld [tilespmem:s21+$0x180];
	v13 =	vsel vm5, v20, v13;
	v12 =	vsel vm5, v22, v12  }
.Ltmp6:
0x113: {  	_ = 	snop;
	(pc) =	sbr.rel .LBB2_8-.Ltmp6, $1  }
0x114: {  	_ =	sdelay $0x3  }
.LBB2_10:
0x115: {  	_ =	sfence.sel $0x180000  }
0x116: {  	[bflag:$0x0] =	sbarrier.arrive $0xFFFF  }
0x117: {  	p0 =	sne.s32 s0, $0x0;
	_ =	strace $0x90000047  }
0x118: {  	s0 =	sadd.s32 @!p0 $0x100000, s1;
	[bflag:$0x2] =	sbarrier.arrive $0xFFFF  }
0x119: {  	[sflag:s0] =	ssyncadd.tile.s32 @!p0 $0x1;
	_ =	shalt  }
.Lfunc_end2:
_tile_overlayer_lowered:
.L_overlay_start_2:
0x11a: {  	(tag) =	ssettag $0x2  }
0x11b: {  	s0 =	rddreg [dreg:$0x0];
	s2 =	stileid.u32  }
0x11c: {  	s1 =	rddreg [dreg:$0x1];
	p0 =	sne.s32 s2, $0x0  }
0x11d: {  	s3 =	rddreg [dreg:$0x2];
	[bflag:$0x3] =	sbarrier.arrive $0xFFFF;
	s2 =	simm.s32 @!p0 $0x1C01  }
0x11e: {  	[timem:s3], [sflag:s2] =	dma.local @!p0 [hbm:s0], s1  }
0x11f: {  	s0 =	simm.s32 @!p0 $0x1  }
0x120: {  	_ =	swait.ge @!p0 [sflag:s0], s1  }
0x121: {  	s1 =	ssub.s32 @!p0 $0x0, s1;
	[sflag:s0] =	ssyncset.done @!p0 $0x0  }
0x122: {  	[sflag:s0] =	ssyncadd.s32 @!p0 s1  }
0x123: {  	[bflag:$0x3] =	sbarrier.arrive $0xFFFF  }
0x124: {  	_ =	shalt  }

</sc_bundles>
